<compile_context>
chip_gen: v7x
topology: tpu7x:2x2x1
jax: 0.10.2.dev20260603
libtpu: 0.0.44.dev20260713+nightly
codegen_flags: <defaults>
</compile_context>

<pallas_src>
import numpy as np
import jax
import jax.numpy as jnp
from jax import lax
from jax.experimental import pallas as pl
from jax.experimental.pallas import tpu as pltpu
from jax.experimental.pallas import tpu_sc as plsc

_SUPPORT = 300
_EPS = 0.001
_N = 2 * _SUPPORT + 1
_E = 65536
_NW = 32
_EW = _E // _NW
_CE = 64
_NCH = _EW // _CE
_NG = _CE // 16
_NBUF = 2


def _np_decode(y):
    y = np.asarray(y, np.float32)
    eps = np.float32(_EPS)
    one = np.float32(1.0)
    return np.sign(y) * (
        np.square(
            (np.sqrt(one + np.float32(4.0) * eps * (np.abs(y) + one + eps)) - one)
            / (np.float32(2.0) * eps)
        )
        - one
    )


_A_LO = float(_np_decode(-_SUPPORT))
_A_HI = float(_np_decode(_SUPPORT))


def _dec_jnp(y):
    return jnp.sign(y) * (
        jnp.square(
            (jnp.sqrt(1.0 + 4.0 * _EPS * (jnp.abs(y) + 1.0 + _EPS)) - 1.0)
            / (2.0 * _EPS)
        )
        - 1.0
    )


def _sqrt16(t):
    yi = lax.bitcast_convert_type(t, jnp.int32)
    g = lax.bitcast_convert_type(
        lax.shift_right_arithmetic(yi, 1) + jnp.int32(0x1FBD1DF5), jnp.float32
    )
    g = 0.5 * (g + t / g)
    g = 0.5 * (g + t / g)
    g = 0.5 * (g + t / g)
    return g


def _bin16(xv, atbuf):
    xc = jnp.clip(xv, jnp.float32(_A_LO), jnp.float32(_A_HI))
    ax = jnp.abs(xc)
    f = jnp.sign(xc) * (_sqrt16(ax + 1.0) - 1.0 + jnp.float32(_EPS) * ax)
    k = (f + jnp.float32(_SUPPORT)).astype(jnp.int32)
    k = jnp.clip(k, 0, _N - 2)
    a = plsc.load_gather(atbuf, [k])
    b = plsc.load_gather(atbuf, [k + 1])
    k = jnp.where(b < xc, k + 1, jnp.where(xc <= a, k - 1, k))
    k = jnp.clip(k, 0, _N - 2)
    lb = plsc.load_gather(atbuf, [k])
    ub = plsc.load_gather(atbuf, [k + 1])
    ld = (ub - xc) / (ub - lb)
    return k, ld, 1.0 - ld


def _sc_body(x_hbm, atoms_hbm, zeros_hbm, out_hbm, xbuf, atbuf, buf0, buf1,
             kidx, sem0, sem1):
    cid = lax.axis_index("c")
    sid = lax.axis_index("s")
    w = sid * 2 + cid
    e0 = w * _EW

    pltpu.sync_copy(x_hbm.at[pl.ds(e0, _EW)], xbuf)
    pltpu.sync_copy(atoms_hbm, atbuf)
    pltpu.sync_copy(zeros_hbm, buf0)
    pltpu.sync_copy(zeros_hbm, buf1)

    bufs = (buf0, buf1)
    sems = (sem0, sem1)
    lanes = lax.iota(jnp.int32, 16)
    z16 = jnp.zeros((16,), jnp.float32)
    for b in range(_NBUF):
        for g in range(_NG):
            kidx[pl.ds((b * _NG + g) * 16, 16)] = jnp.zeros((16,), jnp.int32)

    def chunk_copy(buf, chunk_e0, sem):
        return pltpu.make_async_copy(
            buf, out_hbm.at[pl.ds(chunk_e0, _CE)], sem
        )

    def step(ci, carry):
        for b in range(_NBUF):
            chunk = ci * _NBUF + b
            buf = bufs[b]
            sem = sems[b]
            chunk_e0 = e0 + chunk * _CE

            @pl.when(chunk >= _NBUF)
            def _retire():
                chunk_copy(buf, chunk_e0 - _NBUF * _CE, sem).wait()

            for g in range(_NG):
                rows = lanes + g * 16
                kv = kidx[pl.ds((b * _NG + g) * 16, 16)]
                plsc.store_scatter(buf, [rows, kv], z16)
                plsc.store_scatter(buf, [rows, kv + 1], z16)

            for g in range(_NG):
                xv = xbuf[pl.ds(chunk * _CE + g * 16, 16)]
                k, ld, ud = _bin16(xv, atbuf)
                rows = lanes + g * 16
                plsc.store_scatter(buf, [rows, k], ld)
                plsc.store_scatter(buf, [rows, k + 1], ud)
                kidx[pl.ds((b * _NG + g) * 16, 16)] = k

            chunk_copy(buf, chunk_e0, sem).start()
        return carry

    lax.fori_loop(0, _NCH // _NBUF, step, 0)

    for b in range(_NBUF):
        chunk = _NCH - _NBUF + b
        chunk_copy(bufs[b], e0 + chunk * _CE, sems[b]).wait()


@jax.jit
def _sc_twohot(x_flat, atoms, zeros_buf):
    mesh = plsc.VectorSubcoreMesh(
        core_axis_name="c", subcore_axis_name="s", num_cores=2, num_subcores=16
    )
    f = pl.kernel(
        _sc_body,
        mesh=mesh,
        compiler_params=pltpu.CompilerParams(needs_layout_passes=False),
        out_type=jax.ShapeDtypeStruct((_E, _N), jnp.float32),
        scratch_types=[
            pltpu.VMEM((_EW,), jnp.float32),
            pltpu.VMEM((_N,), jnp.float32),
            pltpu.VMEM((_CE, _N), jnp.float32),
            pltpu.VMEM((_CE, _N), jnp.float32),
            pltpu.VMEM((_NBUF * _CE,), jnp.int32),
            pltpu.SemaphoreType.DMA,
            pltpu.SemaphoreType.DMA,
        ],
    )
    return f(x_flat, atoms, zeros_buf)


def kernel(x):
    atoms = _dec_jnp(jnp.arange(-_SUPPORT, _SUPPORT + 1, dtype=jnp.float32))
    zeros_buf = jnp.zeros((_CE, _N), jnp.float32)
    out = _sc_twohot(x.reshape(_E), atoms, zeros_buf)
    return out.reshape(x.shape[0], x.shape[1], _N)

# --- scband reference (transcript-rebuilt; emitter-appended) ---
"""Pipeline reference for scband-rvtran-38517266710833 (READ-ONLY COPY).

The authoritative reference and input builder live on the scoring server;
editing this copy changes nothing except your own understanding.
"""

import jax, jax.numpy as jnp
import numpy as np

SUPPORT = 300
EPS = 0.001


def decode_s(x, eps=EPS):
    return jnp.sign(x) * (jnp.square((jnp.sqrt(1.0 + 4.0 * eps * (jnp.abs(x) + 1.0 + eps)) - 1.0) / (2.0 * eps)) - 1.0)


def setup_inputs(seed: int = 0) -> dict:
    key = jax.random.key(seed)
    x = jax.random.normal(key, (2048, 32), dtype=jnp.float32) * 50.0
    return {"x": x}


def reference(x):
    # atom_vector buffer: decode_s(arange(-support, support+1)) for enc_type == 2
    atoms = decode_s(jnp.arange(-SUPPORT, SUPPORT + 1, dtype=jnp.float32))
    n = atoms.shape[0]
    # clamp to atom range
    xc = jnp.clip(x, atoms[0], atoms[-1])
    # gt_indices = (atom_vector[None] < x[..., None]).sum(-1) - 1
    gt = jnp.sum((atoms < xc[..., None]).astype(jnp.int32), axis=-1) - 1
    gt = jnp.clip(gt, 0, n - 2)
    lower_bounds = atoms[gt]
    upper_bounds = atoms[gt + 1]
    lower_density = (upper_bounds - xc) / (upper_bounds - lower_bounds)
    upper_density = 1.0 - lower_density
    # scatter into zeros along last axis; gt and gt+1 never collide, so
    # one-hot accumulation is exactly equivalent to torch scatter_ overwrite
    enc = (jax.nn.one_hot(gt, n, dtype=jnp.float32) * lower_density[..., None]
           + jax.nn.one_hot(gt + 1, n, dtype=jnp.float32) * upper_density[..., None])
    return enc

if __name__ == "__main__":
    import jax
    _d = setup_inputs()
    print(jax.jit(kernel)(*tuple(_d.values())))

</pallas_src>

<mosaic_0001>
#map = affine_map<(d0, d1) -> (0)>
#map1 = affine_map<(d0, d1) -> (0, 0)>
module attributes {stable_mosaic.version = 14 : i64} {
  func.func @_sc_body(%arg0: i32, %arg1: i32, %arg2: memref<65536xf32, #tpu.memory_space<hbm>>, %arg3: memref<601xf32, #tpu.memory_space<hbm>>, %arg4: memref<64x601xf32, #tpu.memory_space<hbm>>, %arg5: memref<65536x601xf32, #tpu.memory_space<hbm>>, %arg6: memref<2048xf32, #tpu.memory_space<vmem>>, %arg7: memref<601xf32, #tpu.memory_space<vmem>>, %arg8: memref<64x601xf32, #tpu.memory_space<vmem>>, %arg9: memref<64x601xf32, #tpu.memory_space<vmem>>, %arg10: memref<128xi32, #tpu.memory_space<vmem>>, %arg11: memref<!tpu.dma_semaphore, #tpu.memory_space<semaphore_mem>>, %arg12: memref<!tpu.dma_semaphore, #tpu.memory_space<semaphore_mem>>) attributes {dimension_semantics = [#tpu.dimension_semantics<core_parallel>, #tpu.dimension_semantics<subcore_parallel>], iteration_bounds = array<i64: 2, 16>, scalar_prefetch = 0 : i64, scratch_operands = 7 : i64, tpu.core_type = #tpu.core_type<sc_vector_subcore>, window_params = [{transform_indices = #map}, {transform_indices = #map}, {transform_indices = #map1}, {transform_indices = #map1}]} {
    %mul3A = arith.constant 2 : i32
    %mul3A_0 = arith.muli %arg1, %mul3A : i32
    %add3A = arith.addi %mul3A_0, %arg0 : i32
    %mul3A_1 = arith.constant 2048 : i32
    %mul3A_2 = arith.muli %add3A, %mul3A_1 : i32
    "tpu.region"() ({
      %run_scoped3A = tpu.sem_alloc : memref<!tpu.dma_semaphore, #tpu.memory_space<semaphore_mem>>
      %dma_start3A = tpu.memref_slice %arg2[%mul3A_2] : memref<65536xf32, #tpu.memory_space<hbm>> -> memref<2048xf32, #tpu.memory_space<hbm>>
      %dma_start3A_51 = tpu.memref_slice %arg2[%mul3A_2] : memref<65536xf32, #tpu.memory_space<hbm>> -> memref<2048xf32, #tpu.memory_space<hbm>>
      tpu.enqueue_dma source(%dma_start3A_51 : memref<2048xf32, #tpu.memory_space<hbm>>) target(%arg6 : memref<2048xf32, #tpu.memory_space<vmem>>) target_semaphore(%run_scoped3A : memref<!tpu.dma_semaphore, #tpu.memory_space<semaphore_mem>>)
      %dma_wait3A_52 = tpu.memref_slice %arg2[%mul3A_2] : memref<65536xf32, #tpu.memory_space<hbm>> -> memref<2048xf32, #tpu.memory_space<hbm>>
      %dma_wait3A_53 = tpu.memref_slice %arg2[%mul3A_2] : memref<65536xf32, #tpu.memory_space<hbm>> -> memref<2048xf32, #tpu.memory_space<hbm>>
      tpu.wait_dma2 semaphore(%run_scoped3A : memref<!tpu.dma_semaphore, #tpu.memory_space<semaphore_mem>>) src(%dma_wait3A_53 : memref<2048xf32, #tpu.memory_space<hbm>>) dst(%arg6 : memref<2048xf32, #tpu.memory_space<vmem>>)
      tpu.yield
    }) : () -> ()
    "tpu.region"() ({
      %run_scoped3A = tpu.sem_alloc : memref<!tpu.dma_semaphore, #tpu.memory_space<semaphore_mem>>
      tpu.enqueue_dma source(%arg3 : memref<601xf32, #tpu.memory_space<hbm>>) target(%arg7 : memref<601xf32, #tpu.memory_space<vmem>>) target_semaphore(%run_scoped3A : memref<!tpu.dma_semaphore, #tpu.memory_space<semaphore_mem>>)
      tpu.wait_dma2 semaphore(%run_scoped3A : memref<!tpu.dma_semaphore, #tpu.memory_space<semaphore_mem>>) src(%arg3 : memref<601xf32, #tpu.memory_space<hbm>>) dst(%arg7 : memref<601xf32, #tpu.memory_space<vmem>>)
      tpu.yield
    }) : () -> ()
    "tpu.region"() ({
      %run_scoped3A = tpu.sem_alloc : memref<!tpu.dma_semaphore, #tpu.memory_space<semaphore_mem>>
      tpu.enqueue_dma source(%arg4 : memref<64x601xf32, #tpu.memory_space<hbm>>) target(%arg8 : memref<64x601xf32, #tpu.memory_space<vmem>>) target_semaphore(%run_scoped3A : memref<!tpu.dma_semaphore, #tpu.memory_space<semaphore_mem>>)
      tpu.wait_dma2 semaphore(%run_scoped3A : memref<!tpu.dma_semaphore, #tpu.memory_space<semaphore_mem>>) src(%arg4 : memref<64x601xf32, #tpu.memory_space<hbm>>) dst(%arg8 : memref<64x601xf32, #tpu.memory_space<vmem>>)
      tpu.yield
    }) : () -> ()
    "tpu.region"() ({
      %run_scoped3A = tpu.sem_alloc : memref<!tpu.dma_semaphore, #tpu.memory_space<semaphore_mem>>
      tpu.enqueue_dma source(%arg4 : memref<64x601xf32, #tpu.memory_space<hbm>>) target(%arg9 : memref<64x601xf32, #tpu.memory_space<vmem>>) target_semaphore(%run_scoped3A : memref<!tpu.dma_semaphore, #tpu.memory_space<semaphore_mem>>)
      tpu.wait_dma2 semaphore(%run_scoped3A : memref<!tpu.dma_semaphore, #tpu.memory_space<semaphore_mem>>) src(%arg4 : memref<64x601xf32, #tpu.memory_space<hbm>>) dst(%arg9 : memref<64x601xf32, #tpu.memory_space<vmem>>)
      tpu.yield
    }) : () -> ()
    %iota3A = tpu.iota {dimensions = array<i32: 0>} : vector<16xi32>
    %broadcast_in_dim3A = arith.constant 0.000000e+00 : f32
    %broadcast_in_dim3A_3 = vector.broadcast %broadcast_in_dim3A : f32 to vector<16xf32>
    %broadcast_in_dim3A_4 = arith.constant 0 : i32
    %broadcast_in_dim3A_5 = vector.broadcast %broadcast_in_dim3A_4 : i32 to vector<16xi32>
    %swap3A = arith.constant 0 : index
    %swap3A_6 = tpu.vector_load %arg10[%swap3A] {strides = array<i32>} : memref<128xi32, #tpu.memory_space<vmem>>, vector<16xi32>,
    tpu.vector_store %arg10[%swap3A], %broadcast_in_dim3A_5 {strides = array<i32>} : memref<128xi32, #tpu.memory_space<vmem>>, vector<16xi32>,
    %broadcast_in_dim3A_7 = arith.constant 0 : i32
    %broadcast_in_dim3A_8 = vector.broadcast %broadcast_in_dim3A_7 : i32 to vector<16xi32>
    %swap3A_9 = arith.constant 16 : index
    %swap3A_10 = tpu.vector_load %arg10[%swap3A_9] {strides = array<i32>} : memref<128xi32, #tpu.memory_space<vmem>>, vector<16xi32>,
    tpu.vector_store %arg10[%swap3A_9], %broadcast_in_dim3A_8 {strides = array<i32>} : memref<128xi32, #tpu.memory_space<vmem>>, vector<16xi32>,
    %broadcast_in_dim3A_11 = arith.constant 0 : i32
    %broadcast_in_dim3A_12 = vector.broadcast %broadcast_in_dim3A_11 : i32 to vector<16xi32>
    %swap3A_13 = arith.constant 32 : index
    %swap3A_14 = tpu.vector_load %arg10[%swap3A_13] {strides = array<i32>} : memref<128xi32, #tpu.memory_space<vmem>>, vector<16xi32>,
    tpu.vector_store %arg10[%swap3A_13], %broadcast_in_dim3A_12 {strides = array<i32>} : memref<128xi32, #tpu.memory_space<vmem>>, vector<16xi32>,
    %broadcast_in_dim3A_15 = arith.constant 0 : i32
    %broadcast_in_dim3A_16 = vector.broadcast %broadcast_in_dim3A_15 : i32 to vector<16xi32>
    %swap3A_17 = arith.constant 48 : index
    %swap3A_18 = tpu.vector_load %arg10[%swap3A_17] {strides = array<i32>} : memref<128xi32, #tpu.memory_space<vmem>>, vector<16xi32>,
    tpu.vector_store %arg10[%swap3A_17], %broadcast_in_dim3A_16 {strides = array<i32>} : memref<128xi32, #tpu.memory_space<vmem>>, vector<16xi32>,
    %broadcast_in_dim3A_19 = arith.constant 0 : i32
    %broadcast_in_dim3A_20 = vector.broadcast %broadcast_in_dim3A_19 : i32 to vector<16xi32>
    %swap3A_21 = arith.constant 64 : index
    %swap3A_22 = tpu.vector_load %arg10[%swap3A_21] {strides = array<i32>} : memref<128xi32, #tpu.memory_space<vmem>>, vector<16xi32>,
    tpu.vector_store %arg10[%swap3A_21], %broadcast_in_dim3A_20 {strides = array<i32>} : memref<128xi32, #tpu.memory_space<vmem>>, vector<16xi32>,
    %broadcast_in_dim3A_23 = arith.constant 0 : i32
    %broadcast_in_dim3A_24 = vector.broadcast %broadcast_in_dim3A_23 : i32 to vector<16xi32>
    %swap3A_25 = arith.constant 80 : index
    %swap3A_26 = tpu.vector_load %arg10[%swap3A_25] {strides = array<i32>} : memref<128xi32, #tpu.memory_space<vmem>>, vector<16xi32>,
    tpu.vector_store %arg10[%swap3A_25], %broadcast_in_dim3A_24 {strides = array<i32>} : memref<128xi32, #tpu.memory_space<vmem>>, vector<16xi32>,
    %broadcast_in_dim3A_27 = arith.constant 0 : i32
    %broadcast_in_dim3A_28 = vector.broadcast %broadcast_in_dim3A_27 : i32 to vector<16xi32>
    %swap3A_29 = arith.constant 96 : index
    %swap3A_30 = tpu.vector_load %arg10[%swap3A_29] {strides = array<i32>} : memref<128xi32, #tpu.memory_space<vmem>>, vector<16xi32>,
    tpu.vector_store %arg10[%swap3A_29], %broadcast_in_dim3A_28 {strides = array<i32>} : memref<128xi32, #tpu.memory_space<vmem>>, vector<16xi32>,
    %broadcast_in_dim3A_31 = arith.constant 0 : i32
    %broadcast_in_dim3A_32 = vector.broadcast %broadcast_in_dim3A_31 : i32 to vector<16xi32>
    %swap3A_33 = arith.constant 112 : index
    %swap3A_34 = tpu.vector_load %arg10[%swap3A_33] {strides = array<i32>} : memref<128xi32, #tpu.memory_space<vmem>>, vector<16xi32>,
    tpu.vector_store %arg10[%swap3A_33], %broadcast_in_dim3A_32 {strides = array<i32>} : memref<128xi32, #tpu.memory_space<vmem>>, vector<16xi32>,
    %scan3A = arith.constant 0 : i32
    %scan3A_35 = arith.constant 0 : i32
    %scan3A_36 = arith.constant 16 : i32
    %scan3A_37 = arith.addi %scan3A_35, %scan3A_36 : i32
    %scan3A_38 = arith.constant 1 : i32
    scf.for %scan3A_51 = %scan3A_35 to %scan3A_37 step %scan3A_38  : i32 {
      %mul3A_52 = arith.constant 2 : i32
      %mul3A_53 = arith.muli %scan3A_51, %mul3A_52 : i32
      %add3A_54 = arith.constant 0 : i32
      %add3A_55 = arith.addi %mul3A_53, %add3A_54 : i32
      %mul3A_56 = arith.constant 64 : i32
      %mul3A_57 = arith.muli %add3A_55, %mul3A_56 : i32
      %add3A_58 = arith.addi %mul3A_2, %mul3A_57 : i32
      %ge3A = arith.constant 2 : i32
      %ge3A_59 = arith.cmpi sge, %add3A_55, %ge3A : i32
      %convert_element_type3A = arith.extui %ge3A_59 : i1 to i32
      %cond3A = arith.constant 0 : i32
      %cond3A_60 = arith.cmpi ne, %convert_element_type3A, %cond3A : i32
      scf.if %cond3A_60 {
        %sub3A_1010 = arith.constant 128 : i32
        %sub3A_1011 = arith.subi %add3A_58, %sub3A_1010 : i32
        %dma_wait3A_1012 = arith.constant 0 : i32
        %dma_wait3A_1013 = tpu.memref_slice %arg5[%sub3A_1011, %dma_wait3A_1012] : memref<65536x601xf32, #tpu.memory_space<hbm>> -> memref<64x601xf32, #tpu.memory_space<hbm>>
        %dma_wait3A_1014 = arith.constant 0 : i32
        %dma_wait3A_1015 = tpu.memref_slice %arg5[%sub3A_1011, %dma_wait3A_1014] : memref<65536x601xf32, #tpu.memory_space<hbm>> -> memref<64x601xf32, #tpu.memory_space<hbm>>
        tpu.wait_dma2 semaphore(%arg11 : memref<!tpu.dma_semaphore, #tpu.memory_space<semaphore_mem>>) src(%arg8 : memref<64x601xf32, #tpu.memory_space<vmem>>) dst(%dma_wait3A_1015 : memref<64x601xf32, #tpu.memory_space<hbm>>)
      } else {
      }
      %add3A_61 = arith.constant 0 : i32
      %add3A_62 = vector.broadcast %add3A_61 : i32 to vector<16xi32>
      %add3A_63 = arith.addi %iota3A, %add3A_62 : vector<16xi32>
      %get3A = arith.constant 0 : index
      %get3A_64 = tpu.vector_load %arg10[%get3A] {strides = array<i32>} : memref<128xi32, #tpu.memory_space<vmem>>, vector<16xi32>,
      tpu.vector_store_idx %arg8[%add3A_63, %get3A_64], %broadcast_in_dim3A_3 : memref<64x601xf32, #tpu.memory_space<vmem>>[vector<16xi32>, vector<16xi32>], vector<16xf32>,
      %add3A_65 = arith.constant 1 : i32
      %add3A_66 = vector.broadcast %add3A_65 : i32 to vector<16xi32>
      %add3A_67 = arith.addi %get3A_64, %add3A_66 : vector<16xi32>
      tpu.vector_store_idx %arg8[%add3A_63, %add3A_67], %broadcast_in_dim3A_3 : memref<64x601xf32, #tpu.memory_space<vmem>>[vector<16xi32>, vector<16xi32>], vector<16xf32>,
      %add3A_68 = arith.constant 16 : i32
      %add3A_69 = vector.broadcast %add3A_68 : i32 to vector<16xi32>
      %add3A_70 = arith.addi %iota3A, %add3A_69 : vector<16xi32>
      %get3A_71 = arith.constant 16 : index
      %get3A_72 = tpu.vector_load %arg10[%get3A_71] {strides = array<i32>} : memref<128xi32, #tpu.memory_space<vmem>>, vector<16xi32>,
      tpu.vector_store_idx %arg8[%add3A_70, %get3A_72], %broadcast_in_dim3A_3 : memref<64x601xf32, #tpu.memory_space<vmem>>[vector<16xi32>, vector<16xi32>], vector<16xf32>,
      %add3A_73 = arith.constant 1 : i32
      %add3A_74 = vector.broadcast %add3A_73 : i32 to vector<16xi32>
      %add3A_75 = arith.addi %get3A_72, %add3A_74 : vector<16xi32>
      tpu.vector_store_idx %arg8[%add3A_70, %add3A_75], %broadcast_in_dim3A_3 : memref<64x601xf32, #tpu.memory_space<vmem>>[vector<16xi32>, vector<16xi32>], vector<16xf32>,
      %add3A_76 = arith.constant 32 : i32
      %add3A_77 = vector.broadcast %add3A_76 : i32 to vector<16xi32>
      %add3A_78 = arith.addi %iota3A, %add3A_77 : vector<16xi32>
      %get3A_79 = arith.constant 32 : index
      %get3A_80 = tpu.vector_load %arg10[%get3A_79] {strides = array<i32>} : memref<128xi32, #tpu.memory_space<vmem>>, vector<16xi32>,
      tpu.vector_store_idx %arg8[%add3A_78, %get3A_80], %broadcast_in_dim3A_3 : memref<64x601xf32, #tpu.memory_space<vmem>>[vector<16xi32>, vector<16xi32>], vector<16xf32>,
      %add3A_81 = arith.constant 1 : i32
      %add3A_82 = vector.broadcast %add3A_81 : i32 to vector<16xi32>
      %add3A_83 = arith.addi %get3A_80, %add3A_82 : vector<16xi32>
      tpu.vector_store_idx %arg8[%add3A_78, %add3A_83], %broadcast_in_dim3A_3 : memref<64x601xf32, #tpu.memory_space<vmem>>[vector<16xi32>, vector<16xi32>], vector<16xf32>,
      %add3A_84 = arith.constant 48 : i32
      %add3A_85 = vector.broadcast %add3A_84 : i32 to vector<16xi32>
      %add3A_86 = arith.addi %iota3A, %add3A_85 : vector<16xi32>
      %get3A_87 = arith.constant 48 : index
      %get3A_88 = tpu.vector_load %arg10[%get3A_87] {strides = array<i32>} : memref<128xi32, #tpu.memory_space<vmem>>, vector<16xi32>,
      tpu.vector_store_idx %arg8[%add3A_86, %get3A_88], %broadcast_in_dim3A_3 : memref<64x601xf32, #tpu.memory_space<vmem>>[vector<16xi32>, vector<16xi32>], vector<16xf32>,
      %add3A_89 = arith.constant 1 : i32
      %add3A_90 = vector.broadcast %add3A_89 : i32 to vector<16xi32>
      %add3A_91 = arith.addi %get3A_88, %add3A_90 : vector<16xi32>
      tpu.vector_store_idx %arg8[%add3A_86, %add3A_91], %broadcast_in_dim3A_3 : memref<64x601xf32, #tpu.memory_space<vmem>>[vector<16xi32>, vector<16xi32>], vector<16xf32>,
      %mul3A_92 = arith.constant 64 : i32
      %mul3A_93 = arith.muli %add3A_55, %mul3A_92 : i32
      %add3A_94 = arith.constant 0 : i32
      %add3A_95 = arith.addi %mul3A_93, %add3A_94 : i32
      %get3A_96 = arith.index_cast %add3A_95 : i32 to index
      %get3A_97 = tpu.vector_load %arg6[%get3A_96] {strides = array<i32>} : memref<2048xf32, #tpu.memory_space<vmem>>, vector<16xf32>,
      %jit3A = arith.constant -58705.5859 : f32
      %jit3A_98 = arith.constant 58705.5859 : f32
      %max3A = vector.broadcast %jit3A : f32 to vector<16xf32>
      %max3A_99 = arith.maximumf %max3A, %get3A_97 : vector<16xf32>
      %min3A = vector.broadcast %jit3A_98 : f32 to vector<16xf32>
      %min3A_100 = arith.minimumf %min3A, %max3A_99 : vector<16xf32>
      %abs3A = math.absf %min3A_100 : vector<16xf32>
      %sign3A = tpu.bitcast %min3A_100 : vector<16xf32> -> vector<16xi32>
      %sign3A_101 = arith.constant -2147483648 : i32
      %sign3A_102 = vector.broadcast %sign3A_101 : i32 to vector<16xi32>
      %sign3A_103 = arith.andi %sign3A, %sign3A_102 : vector<16xi32>
      %sign3A_104 = arith.constant 1065353216 : i32
      %sign3A_105 = vector.broadcast %sign3A_104 : i32 to vector<16xi32>
      %sign3A_106 = arith.ori %sign3A_105, %sign3A_103 : vector<16xi32>
      %sign3A_107 = tpu.bitcast %sign3A_106 : vector<16xi32> -> vector<16xf32>
      %sign3A_108 = math.absf %min3A_100 : vector<16xf32>
      %sign3A_109 = arith.constant 0.000000e+00 : f32
      %sign3A_110 = vector.broadcast %sign3A_109 : f32 to vector<16xf32>
      %sign3A_111 = arith.cmpf ogt, %sign3A_108, %sign3A_110 : vector<16xf32>
      %sign3A_112 = arith.select %sign3A_111, %sign3A_107, %min3A_100 : vector<16xi1>, vector<16xf32>
      %add3A_113 = arith.constant 1.000000e+00 : f32
      %add3A_114 = vector.broadcast %add3A_113 : f32 to vector<16xf32>
      %add3A_115 = arith.addf %abs3A, %add3A_114 : vector<16xf32>
      %bitcast_convert_type3A = tpu.bitcast %add3A_115 : vector<16xf32> -> vector<16xi32>
      %shift_right_arithmetic3A = arith.constant 1 : i32
      %shift_right_arithmetic3A_116 = vector.broadcast %shift_right_arithmetic3A : i32 to vector<16xi32>
      %shift_right_arithmetic3A_117 = arith.shrsi %bitcast_convert_type3A, %shift_right_arithmetic3A_116 : vector<16xi32>
      %add3A_118 = arith.constant 532487669 : i32
      %add3A_119 = vector.broadcast %add3A_118 : i32 to vector<16xi32>
      %add3A_120 = arith.addi %shift_right_arithmetic3A_117, %add3A_119 : vector<16xi32>
      %bitcast_convert_type3A_121 = tpu.bitcast %add3A_120 : vector<16xi32> -> vector<16xf32>
      %div3A = arith.divf %add3A_115, %bitcast_convert_type3A_121 : vector<16xf32>
      %add3A_122 = arith.addf %bitcast_convert_type3A_121, %div3A : vector<16xf32>
      %mul3A_123 = arith.constant 5.000000e-01 : f32
      %mul3A_124 = vector.broadcast %mul3A_123 : f32 to vector<16xf32>
      %mul3A_125 = arith.mulf %mul3A_124, %add3A_122 : vector<16xf32>
      %div3A_126 = arith.divf %add3A_115, %mul3A_125 : vector<16xf32>
      %add3A_127 = arith.addf %mul3A_125, %div3A_126 : vector<16xf32>
      %mul3A_128 = arith.constant 5.000000e-01 : f32
      %mul3A_129 = vector.broadcast %mul3A_128 : f32 to vector<16xf32>
      %mul3A_130 = arith.mulf %mul3A_129, %add3A_127 : vector<16xf32>
      %div3A_131 = arith.divf %add3A_115, %mul3A_130 : vector<16xf32>
      %add3A_132 = arith.addf %mul3A_130, %div3A_131 : vector<16xf32>
      %mul3A_133 = arith.constant 5.000000e-01 : f32
      %mul3A_134 = vector.broadcast %mul3A_133 : f32 to vector<16xf32>
      %mul3A_135 = arith.mulf %mul3A_134, %add3A_132 : vector<16xf32>
      %sub3A = arith.constant 1.000000e+00 : f32
      %sub3A_136 = vector.broadcast %sub3A : f32 to vector<16xf32>
      %sub3A_137 = arith.subf %mul3A_135, %sub3A_136 : vector<16xf32>
      %mul3A_138 = arith.constant 1.000000e-03 : f32
      %mul3A_139 = vector.broadcast %mul3A_138 : f32 to vector<16xf32>
      %mul3A_140 = arith.mulf %mul3A_139, %abs3A : vector<16xf32>
      %add3A_141 = arith.addf %sub3A_137, %mul3A_140 : vector<16xf32>
      %mul3A_142 = arith.mulf %sign3A_112, %add3A_141 : vector<16xf32>
      %add3A_143 = arith.constant 3.000000e+02 : f32
      %add3A_144 = vector.broadcast %add3A_143 : f32 to vector<16xf32>
      %add3A_145 = arith.addf %mul3A_142, %add3A_144 : vector<16xf32>
      %convert_element_type3A_146 = arith.fptosi %add3A_145 : vector<16xf32> to vector<16xi32>
      %jit3A_147 = arith.constant 0 : i32
      %jit3A_148 = arith.constant 599 : i32
      %max3A_149 = vector.broadcast %jit3A_147 : i32 to vector<16xi32>
      %max3A_150 = arith.maxsi %max3A_149, %convert_element_type3A_146 : vector<16xi32>
      %min3A_151 = vector.broadcast %jit3A_148 : i32 to vector<16xi32>
      %min3A_152 = arith.minsi %min3A_151, %max3A_150 : vector<16xi32>
      %gather3A = tpu.vector_load_idx %arg7[%min3A_152] : memref<601xf32, #tpu.memory_space<vmem>>[vector<16xi32>], vector<16xf32>,
      %add3A_153 = arith.constant 1 : i32
      %add3A_154 = vector.broadcast %add3A_153 : i32 to vector<16xi32>
      %add3A_155 = arith.addi %min3A_152, %add3A_154 : vector<16xi32>
      %gather3A_156 = tpu.vector_load_idx %arg7[%add3A_155] : memref<601xf32, #tpu.memory_space<vmem>>[vector<16xi32>], vector<16xf32>,
      %lt3A = arith.cmpf olt, %gather3A_156, %min3A_100 : vector<16xf32>
      %add3A_157 = arith.constant 1 : i32
      %add3A_158 = vector.broadcast %add3A_157 : i32 to vector<16xi32>
      %add3A_159 = arith.addi %min3A_152, %add3A_158 : vector<16xi32>
      %le3A = arith.cmpf ole, %min3A_100, %gather3A : vector<16xf32>
      %sub3A_160 = arith.constant 1 : i32
      %sub3A_161 = vector.broadcast %sub3A_160 : i32 to vector<16xi32>
      %sub3A_162 = arith.subi %min3A_152, %sub3A_161 : vector<16xi32>
      %select_n3A = arith.select %le3A, %sub3A_162, %min3A_152 : vector<16xi1>, vector<16xi32>
      %select_n3A_163 = arith.select %lt3A, %add3A_159, %select_n3A : vector<16xi1>, vector<16xi32>
      %jit3A_164 = arith.constant 0 : i32
      %jit3A_165 = arith.constant 599 : i32
      %max3A_166 = vector.broadcast %jit3A_164 : i32 to vector<16xi32>
      %max3A_167 = arith.maxsi %max3A_166, %select_n3A_163 : vector<16xi32>
      %min3A_168 = vector.broadcast %jit3A_165 : i32 to vector<16xi32>
      %min3A_169 = arith.minsi %min3A_168, %max3A_167 : vector<16xi32>
      %gather3A_170 = tpu.vector_load_idx %arg7[%min3A_169] : memref<601xf32, #tpu.memory_space<vmem>>[vector<16xi32>], vector<16xf32>,
      %add3A_171 = arith.constant 1 : i32
      %add3A_172 = vector.broadcast %add3A_171 : i32 to vector<16xi32>
      %add3A_173 = arith.addi %min3A_169, %add3A_172 : vector<16xi32>
      %gather3A_174 = tpu.vector_load_idx %arg7[%add3A_173] : memref<601xf32, #tpu.memory_space<vmem>>[vector<16xi32>], vector<16xf32>,
      %sub3A_175 = arith.subf %gather3A_174, %min3A_100 : vector<16xf32>
      %sub3A_176 = arith.subf %gather3A_174, %gather3A_170 : vector<16xf32>
      %div3A_177 = arith.divf %sub3A_175, %sub3A_176 : vector<16xf32>
      %sub3A_178 = arith.constant 1.000000e+00 : f32
      %sub3A_179 = vector.broadcast %sub3A_178 : f32 to vector<16xf32>
      %sub3A_180 = arith.subf %sub3A_179, %div3A_177 : vector<16xf32>
      %add3A_181 = arith.constant 0 : i32
      %add3A_182 = vector.broadcast %add3A_181 : i32 to vector<16xi32>
      %add3A_183 = arith.addi %iota3A, %add3A_182 : vector<16xi32>
      tpu.vector_store_idx %arg8[%add3A_183, %min3A_169], %div3A_177 : memref<64x601xf32, #tpu.memory_space<vmem>>[vector<16xi32>, vector<16xi32>], vector<16xf32>,
      %add3A_184 = arith.constant 1 : i32
      %add3A_185 = vector.broadcast %add3A_184 : i32 to vector<16xi32>
      %add3A_186 = arith.addi %min3A_169, %add3A_185 : vector<16xi32>
      tpu.vector_store_idx %arg8[%add3A_183, %add3A_186], %sub3A_180 : memref<64x601xf32, #tpu.memory_space<vmem>>[vector<16xi32>, vector<16xi32>], vector<16xf32>,
      %swap3A_187 = arith.constant 0 : index
      %swap3A_188 = tpu.vector_load %arg10[%swap3A_187] {strides = array<i32>} : memref<128xi32, #tpu.memory_space<vmem>>, vector<16xi32>,
      tpu.vector_store %arg10[%swap3A_187], %min3A_169 {strides = array<i32>} : memref<128xi32, #tpu.memory_space<vmem>>, vector<16xi32>,
      %mul3A_189 = arith.constant 64 : i32
      %mul3A_190 = arith.muli %add3A_55, %mul3A_189 : i32
      %add3A_191 = arith.constant 16 : i32
      %add3A_192 = arith.addi %mul3A_190, %add3A_191 : i32
      %get3A_193 = arith.index_cast %add3A_192 : i32 to index
      %get3A_194 = tpu.vector_load %arg6[%get3A_193] {strides = array<i32>} : memref<2048xf32, #tpu.memory_space<vmem>>, vector<16xf32>,
      %jit3A_195 = arith.constant -58705.5859 : f32
      %jit3A_196 = arith.constant 58705.5859 : f32
      %max3A_197 = vector.broadcast %jit3A_195 : f32 to vector<16xf32>
      %max3A_198 = arith.maximumf %max3A_197, %get3A_194 : vector<16xf32>
      %min3A_199 = vector.broadcast %jit3A_196 : f32 to vector<16xf32>
      %min3A_200 = arith.minimumf %min3A_199, %max3A_198 : vector<16xf32>
      %abs3A_201 = math.absf %min3A_200 : vector<16xf32>
      %sign3A_202 = tpu.bitcast %min3A_200 : vector<16xf32> -> vector<16xi32>
      %sign3A_203 = arith.constant -2147483648 : i32
      %sign3A_204 = vector.broadcast %sign3A_203 : i32 to vector<16xi32>
      %sign3A_205 = arith.andi %sign3A_202, %sign3A_204 : vector<16xi32>
      %sign3A_206 = arith.constant 1065353216 : i32
      %sign3A_207 = vector.broadcast %sign3A_206 : i32 to vector<16xi32>
      %sign3A_208 = arith.ori %sign3A_207, %sign3A_205 : vector<16xi32>
      %sign3A_209 = tpu.bitcast %sign3A_208 : vector<16xi32> -> vector<16xf32>
      %sign3A_210 = math.absf %min3A_200 : vector<16xf32>
      %sign3A_211 = arith.constant 0.000000e+00 : f32
      %sign3A_212 = vector.broadcast %sign3A_211 : f32 to vector<16xf32>
      %sign3A_213 = arith.cmpf ogt, %sign3A_210, %sign3A_212 : vector<16xf32>
      %sign3A_214 = arith.select %sign3A_213, %sign3A_209, %min3A_200 : vector<16xi1>, vector<16xf32>
      %add3A_215 = arith.constant 1.000000e+00 : f32
      %add3A_216 = vector.broadcast %add3A_215 : f32 to vector<16xf32>
      %add3A_217 = arith.addf %abs3A_201, %add3A_216 : vector<16xf32>
      %bitcast_convert_type3A_218 = tpu.bitcast %add3A_217 : vector<16xf32> -> vector<16xi32>
      %shift_right_arithmetic3A_219 = arith.constant 1 : i32
      %shift_right_arithmetic3A_220 = vector.broadcast %shift_right_arithmetic3A_219 : i32 to vector<16xi32>
      %shift_right_arithmetic3A_221 = arith.shrsi %bitcast_convert_type3A_218, %shift_right_arithmetic3A_220 : vector<16xi32>
      %add3A_222 = arith.constant 532487669 : i32
      %add3A_223 = vector.broadcast %add3A_222 : i32 to vector<16xi32>
      %add3A_224 = arith.addi %shift_right_arithmetic3A_221, %add3A_223 : vector<16xi32>
      %bitcast_convert_type3A_225 = tpu.bitcast %add3A_224 : vector<16xi32> -> vector<16xf32>
      %div3A_226 = arith.divf %add3A_217, %bitcast_convert_type3A_225 : vector<16xf32>
      %add3A_227 = arith.addf %bitcast_convert_type3A_225, %div3A_226 : vector<16xf32>
      %mul3A_228 = arith.constant 5.000000e-01 : f32
      %mul3A_229 = vector.broadcast %mul3A_228 : f32 to vector<16xf32>
      %mul3A_230 = arith.mulf %mul3A_229, %add3A_227 : vector<16xf32>
      %div3A_231 = arith.divf %add3A_217, %mul3A_230 : vector<16xf32>
      %add3A_232 = arith.addf %mul3A_230, %div3A_231 : vector<16xf32>
      %mul3A_233 = arith.constant 5.000000e-01 : f32
      %mul3A_234 = vector.broadcast %mul3A_233 : f32 to vector<16xf32>
      %mul3A_235 = arith.mulf %mul3A_234, %add3A_232 : vector<16xf32>
      %div3A_236 = arith.divf %add3A_217, %mul3A_235 : vector<16xf32>
      %add3A_237 = arith.addf %mul3A_235, %div3A_236 : vector<16xf32>
      %mul3A_238 = arith.constant 5.000000e-01 : f32
      %mul3A_239 = vector.broadcast %mul3A_238 : f32 to vector<16xf32>
      %mul3A_240 = arith.mulf %mul3A_239, %add3A_237 : vector<16xf32>
      %sub3A_241 = arith.constant 1.000000e+00 : f32
      %sub3A_242 = vector.broadcast %sub3A_241 : f32 to vector<16xf32>
      %sub3A_243 = arith.subf %mul3A_240, %sub3A_242 : vector<16xf32>
      %mul3A_244 = arith.constant 1.000000e-03 : f32
      %mul3A_245 = vector.broadcast %mul3A_244 : f32 to vector<16xf32>
      %mul3A_246 = arith.mulf %mul3A_245, %abs3A_201 : vector<16xf32>
      %add3A_247 = arith.addf %sub3A_243, %mul3A_246 : vector<16xf32>
      %mul3A_248 = arith.mulf %sign3A_214, %add3A_247 : vector<16xf32>
      %add3A_249 = arith.constant 3.000000e+02 : f32
      %add3A_250 = vector.broadcast %add3A_249 : f32 to vector<16xf32>
      %add3A_251 = arith.addf %mul3A_248, %add3A_250 : vector<16xf32>
      %convert_element_type3A_252 = arith.fptosi %add3A_251 : vector<16xf32> to vector<16xi32>
      %jit3A_253 = arith.constant 0 : i32
      %jit3A_254 = arith.constant 599 : i32
      %max3A_255 = vector.broadcast %jit3A_253 : i32 to vector<16xi32>
      %max3A_256 = arith.maxsi %max3A_255, %convert_element_type3A_252 : vector<16xi32>
      %min3A_257 = vector.broadcast %jit3A_254 : i32 to vector<16xi32>
      %min3A_258 = arith.minsi %min3A_257, %max3A_256 : vector<16xi32>
      %gather3A_259 = tpu.vector_load_idx %arg7[%min3A_258] : memref<601xf32, #tpu.memory_space<vmem>>[vector<16xi32>], vector<16xf32>,
      %add3A_260 = arith.constant 1 : i32
      %add3A_261 = vector.broadcast %add3A_260 : i32 to vector<16xi32>
      %add3A_262 = arith.addi %min3A_258, %add3A_261 : vector<16xi32>
      %gather3A_263 = tpu.vector_load_idx %arg7[%add3A_262] : memref<601xf32, #tpu.memory_space<vmem>>[vector<16xi32>], vector<16xf32>,
      %lt3A_264 = arith.cmpf olt, %gather3A_263, %min3A_200 : vector<16xf32>
      %add3A_265 = arith.constant 1 : i32
      %add3A_266 = vector.broadcast %add3A_265 : i32 to vector<16xi32>
      %add3A_267 = arith.addi %min3A_258, %add3A_266 : vector<16xi32>
      %le3A_268 = arith.cmpf ole, %min3A_200, %gather3A_259 : vector<16xf32>
      %sub3A_269 = arith.constant 1 : i32
      %sub3A_270 = vector.broadcast %sub3A_269 : i32 to vector<16xi32>
      %sub3A_271 = arith.subi %min3A_258, %sub3A_270 : vector<16xi32>
      %select_n3A_272 = arith.select %le3A_268, %sub3A_271, %min3A_258 : vector<16xi1>, vector<16xi32>
      %select_n3A_273 = arith.select %lt3A_264, %add3A_267, %select_n3A_272 : vector<16xi1>, vector<16xi32>
      %jit3A_274 = arith.constant 0 : i32
      %jit3A_275 = arith.constant 599 : i32
      %max3A_276 = vector.broadcast %jit3A_274 : i32 to vector<16xi32>
      %max3A_277 = arith.maxsi %max3A_276, %select_n3A_273 : vector<16xi32>
      %min3A_278 = vector.broadcast %jit3A_275 : i32 to vector<16xi32>
      %min3A_279 = arith.minsi %min3A_278, %max3A_277 : vector<16xi32>
      %gather3A_280 = tpu.vector_load_idx %arg7[%min3A_279] : memref<601xf32, #tpu.memory_space<vmem>>[vector<16xi32>], vector<16xf32>,
      %add3A_281 = arith.constant 1 : i32
      %add3A_282 = vector.broadcast %add3A_281 : i32 to vector<16xi32>
      %add3A_283 = arith.addi %min3A_279, %add3A_282 : vector<16xi32>
      %gather3A_284 = tpu.vector_load_idx %arg7[%add3A_283] : memref<601xf32, #tpu.memory_space<vmem>>[vector<16xi32>], vector<16xf32>,
      %sub3A_285 = arith.subf %gather3A_284, %min3A_200 : vector<16xf32>
      %sub3A_286 = arith.subf %gather3A_284, %gather3A_280 : vector<16xf32>
      %div3A_287 = arith.divf %sub3A_285, %sub3A_286 : vector<16xf32>
      %sub3A_288 = arith.constant 1.000000e+00 : f32
      %sub3A_289 = vector.broadcast %sub3A_288 : f32 to vector<16xf32>
      %sub3A_290 = arith.subf %sub3A_289, %div3A_287 : vector<16xf32>
      %add3A_291 = arith.constant 16 : i32
      %add3A_292 = vector.broadcast %add3A_291 : i32 to vector<16xi32>
      %add3A_293 = arith.addi %iota3A, %add3A_292 : vector<16xi32>
      tpu.vector_store_idx %arg8[%add3A_293, %min3A_279], %div3A_287 : memref<64x601xf32, #tpu.memory_space<vmem>>[vector<16xi32>, vector<16xi32>], vector<16xf32>,
      %add3A_294 = arith.constant 1 : i32
      %add3A_295 = vector.broadcast %add3A_294 : i32 to vector<16xi32>
      %add3A_296 = arith.addi %min3A_279, %add3A_295 : vector<16xi32>
      tpu.vector_store_idx %arg8[%add3A_293, %add3A_296], %sub3A_290 : memref<64x601xf32, #tpu.memory_space<vmem>>[vector<16xi32>, vector<16xi32>], vector<16xf32>,
      %swap3A_297 = arith.constant 16 : index
      %swap3A_298 = tpu.vector_load %arg10[%swap3A_297] {strides = array<i32>} : memref<128xi32, #tpu.memory_space<vmem>>, vector<16xi32>,
      tpu.vector_store %arg10[%swap3A_297], %min3A_279 {strides = array<i32>} : memref<128xi32, #tpu.memory_space<vmem>>, vector<16xi32>,
      %mul3A_299 = arith.constant 64 : i32
      %mul3A_300 = arith.muli %add3A_55, %mul3A_299 : i32
      %add3A_301 = arith.constant 32 : i32
      %add3A_302 = arith.addi %mul3A_300, %add3A_301 : i32
      %get3A_303 = arith.index_cast %add3A_302 : i32 to index
      %get3A_304 = tpu.vector_load %arg6[%get3A_303] {strides = array<i32>} : memref<2048xf32, #tpu.memory_space<vmem>>, vector<16xf32>,
      %jit3A_305 = arith.constant -58705.5859 : f32
      %jit3A_306 = arith.constant 58705.5859 : f32
      %max3A_307 = vector.broadcast %jit3A_305 : f32 to vector<16xf32>
      %max3A_308 = arith.maximumf %max3A_307, %get3A_304 : vector<16xf32>
      %min3A_309 = vector.broadcast %jit3A_306 : f32 to vector<16xf32>
      %min3A_310 = arith.minimumf %min3A_309, %max3A_308 : vector<16xf32>
      %abs3A_311 = math.absf %min3A_310 : vector<16xf32>
      %sign3A_312 = tpu.bitcast %min3A_310 : vector<16xf32> -> vector<16xi32>
      %sign3A_313 = arith.constant -2147483648 : i32
      %sign3A_314 = vector.broadcast %sign3A_313 : i32 to vector<16xi32>
      %sign3A_315 = arith.andi %sign3A_312, %sign3A_314 : vector<16xi32>
      %sign3A_316 = arith.constant 1065353216 : i32
      %sign3A_317 = vector.broadcast %sign3A_316 : i32 to vector<16xi32>
      %sign3A_318 = arith.ori %sign3A_317, %sign3A_315 : vector<16xi32>
      %sign3A_319 = tpu.bitcast %sign3A_318 : vector<16xi32> -> vector<16xf32>
      %sign3A_320 = math.absf %min3A_310 : vector<16xf32>
      %sign3A_321 = arith.constant 0.000000e+00 : f32
      %sign3A_322 = vector.broadcast %sign3A_321 : f32 to vector<16xf32>
      %sign3A_323 = arith.cmpf ogt, %sign3A_320, %sign3A_322 : vector<16xf32>
      %sign3A_324 = arith.select %sign3A_323, %sign3A_319, %min3A_310 : vector<16xi1>, vector<16xf32>
      %add3A_325 = arith.constant 1.000000e+00 : f32
      %add3A_326 = vector.broadcast %add3A_325 : f32 to vector<16xf32>
      %add3A_327 = arith.addf %abs3A_311, %add3A_326 : vector<16xf32>
      %bitcast_convert_type3A_328 = tpu.bitcast %add3A_327 : vector<16xf32> -> vector<16xi32>
      %shift_right_arithmetic3A_329 = arith.constant 1 : i32
      %shift_right_arithmetic3A_330 = vector.broadcast %shift_right_arithmetic3A_329 : i32 to vector<16xi32>
      %shift_right_arithmetic3A_331 = arith.shrsi %bitcast_convert_type3A_328, %shift_right_arithmetic3A_330 : vector<16xi32>
      %add3A_332 = arith.constant 532487669 : i32
      %add3A_333 = vector.broadcast %add3A_332 : i32 to vector<16xi32>
      %add3A_334 = arith.addi %shift_right_arithmetic3A_331, %add3A_333 : vector<16xi32>
      %bitcast_convert_type3A_335 = tpu.bitcast %add3A_334 : vector<16xi32> -> vector<16xf32>
      %div3A_336 = arith.divf %add3A_327, %bitcast_convert_type3A_335 : vector<16xf32>
      %add3A_337 = arith.addf %bitcast_convert_type3A_335, %div3A_336 : vector<16xf32>
      %mul3A_338 = arith.constant 5.000000e-01 : f32
      %mul3A_339 = vector.broadcast %mul3A_338 : f32 to vector<16xf32>
      %mul3A_340 = arith.mulf %mul3A_339, %add3A_337 : vector<16xf32>
      %div3A_341 = arith.divf %add3A_327, %mul3A_340 : vector<16xf32>
      %add3A_342 = arith.addf %mul3A_340, %div3A_341 : vector<16xf32>
      %mul3A_343 = arith.constant 5.000000e-01 : f32
      %mul3A_344 = vector.broadcast %mul3A_343 : f32 to vector<16xf32>
      %mul3A_345 = arith.mulf %mul3A_344, %add3A_342 : vector<16xf32>
      %div3A_346 = arith.divf %add3A_327, %mul3A_345 : vector<16xf32>
      %add3A_347 = arith.addf %mul3A_345, %div3A_346 : vector<16xf32>
      %mul3A_348 = arith.constant 5.000000e-01 : f32
      %mul3A_349 = vector.broadcast %mul3A_348 : f32 to vector<16xf32>
      %mul3A_350 = arith.mulf %mul3A_349, %add3A_347 : vector<16xf32>
      %sub3A_351 = arith.constant 1.000000e+00 : f32
      %sub3A_352 = vector.broadcast %sub3A_351 : f32 to vector<16xf32>
      %sub3A_353 = arith.subf %mul3A_350, %sub3A_352 : vector<16xf32>
      %mul3A_354 = arith.constant 1.000000e-03 : f32
      %mul3A_355 = vector.broadcast %mul3A_354 : f32 to vector<16xf32>
      %mul3A_356 = arith.mulf %mul3A_355, %abs3A_311 : vector<16xf32>
      %add3A_357 = arith.addf %sub3A_353, %mul3A_356 : vector<16xf32>
      %mul3A_358 = arith.mulf %sign3A_324, %add3A_357 : vector<16xf32>
      %add3A_359 = arith.constant 3.000000e+02 : f32
      %add3A_360 = vector.broadcast %add3A_359 : f32 to vector<16xf32>
      %add3A_361 = arith.addf %mul3A_358, %add3A_360 : vector<16xf32>
      %convert_element_type3A_362 = arith.fptosi %add3A_361 : vector<16xf32> to vector<16xi32>
      %jit3A_363 = arith.constant 0 : i32
      %jit3A_364 = arith.constant 599 : i32
      %max3A_365 = vector.broadcast %jit3A_363 : i32 to vector<16xi32>
      %max3A_366 = arith.maxsi %max3A_365, %convert_element_type3A_362 : vector<16xi32>
      %min3A_367 = vector.broadcast %jit3A_364 : i32 to vector<16xi32>
      %min3A_368 = arith.minsi %min3A_367, %max3A_366 : vector<16xi32>
      %gather3A_369 = tpu.vector_load_idx %arg7[%min3A_368] : memref<601xf32, #tpu.memory_space<vmem>>[vector<16xi32>], vector<16xf32>,
      %add3A_370 = arith.constant 1 : i32
      %add3A_371 = vector.broadcast %add3A_370 : i32 to vector<16xi32>
      %add3A_372 = arith.addi %min3A_368, %add3A_371 : vector<16xi32>
      %gather3A_373 = tpu.vector_load_idx %arg7[%add3A_372] : memref<601xf32, #tpu.memory_space<vmem>>[vector<16xi32>], vector<16xf32>,
      %lt3A_374 = arith.cmpf olt, %gather3A_373, %min3A_310 : vector<16xf32>
      %add3A_375 = arith.constant 1 : i32
      %add3A_376 = vector.broadcast %add3A_375 : i32 to vector<16xi32>
      %add3A_377 = arith.addi %min3A_368, %add3A_376 : vector<16xi32>
      %le3A_378 = arith.cmpf ole, %min3A_310, %gather3A_369 : vector<16xf32>
      %sub3A_379 = arith.constant 1 : i32
      %sub3A_380 = vector.broadcast %sub3A_379 : i32 to vector<16xi32>
      %sub3A_381 = arith.subi %min3A_368, %sub3A_380 : vector<16xi32>
      %select_n3A_382 = arith.select %le3A_378, %sub3A_381, %min3A_368 : vector<16xi1>, vector<16xi32>
      %select_n3A_383 = arith.select %lt3A_374, %add3A_377, %select_n3A_382 : vector<16xi1>, vector<16xi32>
      %jit3A_384 = arith.constant 0 : i32
      %jit3A_385 = arith.constant 599 : i32
      %max3A_386 = vector.broadcast %jit3A_384 : i32 to vector<16xi32>
      %max3A_387 = arith.maxsi %max3A_386, %select_n3A_383 : vector<16xi32>
      %min3A_388 = vector.broadcast %jit3A_385 : i32 to vector<16xi32>
      %min3A_389 = arith.minsi %min3A_388, %max3A_387 : vector<16xi32>
      %gather3A_390 = tpu.vector_load_idx %arg7[%min3A_389] : memref<601xf32, #tpu.memory_space<vmem>>[vector<16xi32>], vector<16xf32>,
      %add3A_391 = arith.constant 1 : i32
      %add3A_392 = vector.broadcast %add3A_391 : i32 to vector<16xi32>
      %add3A_393 = arith.addi %min3A_389, %add3A_392 : vector<16xi32>
      %gather3A_394 = tpu.vector_load_idx %arg7[%add3A_393] : memref<601xf32, #tpu.memory_space<vmem>>[vector<16xi32>], vector<16xf32>,
      %sub3A_395 = arith.subf %gather3A_394, %min3A_310 : vector<16xf32>
      %sub3A_396 = arith.subf %gather3A_394, %gather3A_390 : vector<16xf32>
      %div3A_397 = arith.divf %sub3A_395, %sub3A_396 : vector<16xf32>
      %sub3A_398 = arith.constant 1.000000e+00 : f32
      %sub3A_399 = vector.broadcast %sub3A_398 : f32 to vector<16xf32>
      %sub3A_400 = arith.subf %sub3A_399, %div3A_397 : vector<16xf32>
      %add3A_401 = arith.constant 32 : i32
      %add3A_402 = vector.broadcast %add3A_401 : i32 to vector<16xi32>
      %add3A_403 = arith.addi %iota3A, %add3A_402 : vector<16xi32>
      tpu.vector_store_idx %arg8[%add3A_403, %min3A_389], %div3A_397 : memref<64x601xf32, #tpu.memory_space<vmem>>[vector<16xi32>, vector<16xi32>], vector<16xf32>,
      %add3A_404 = arith.constant 1 : i32
      %add3A_405 = vector.broadcast %add3A_404 : i32 to vector<16xi32>
      %add3A_406 = arith.addi %min3A_389, %add3A_405 : vector<16xi32>
      tpu.vector_store_idx %arg8[%add3A_403, %add3A_406], %sub3A_400 : memref<64x601xf32, #tpu.memory_space<vmem>>[vector<16xi32>, vector<16xi32>], vector<16xf32>,
      %swap3A_407 = arith.constant 32 : index
      %swap3A_408 = tpu.vector_load %arg10[%swap3A_407] {strides = array<i32>} : memref<128xi32, #tpu.memory_space<vmem>>, vector<16xi32>,
      tpu.vector_store %arg10[%swap3A_407], %min3A_389 {strides = array<i32>} : memref<128xi32, #tpu.memory_space<vmem>>, vector<16xi32>,
      %mul3A_409 = arith.constant 64 : i32
      %mul3A_410 = arith.muli %add3A_55, %mul3A_409 : i32
      %add3A_411 = arith.constant 48 : i32
      %add3A_412 = arith.addi %mul3A_410, %add3A_411 : i32
      %get3A_413 = arith.index_cast %add3A_412 : i32 to index
      %get3A_414 = tpu.vector_load %arg6[%get3A_413] {strides = array<i32>} : memref<2048xf32, #tpu.memory_space<vmem>>, vector<16xf32>,
      %jit3A_415 = arith.constant -58705.5859 : f32
      %jit3A_416 = arith.constant 58705.5859 : f32
      %max3A_417 = vector.broadcast %jit3A_415 : f32 to vector<16xf32>
      %max3A_418 = arith.maximumf %max3A_417, %get3A_414 : vector<16xf32>
      %min3A_419 = vector.broadcast %jit3A_416 : f32 to vector<16xf32>
      %min3A_420 = arith.minimumf %min3A_419, %max3A_418 : vector<16xf32>
      %abs3A_421 = math.absf %min3A_420 : vector<16xf32>
      %sign3A_422 = tpu.bitcast %min3A_420 : vector<16xf32> -> vector<16xi32>
      %sign3A_423 = arith.constant -2147483648 : i32
      %sign3A_424 = vector.broadcast %sign3A_423 : i32 to vector<16xi32>
      %sign3A_425 = arith.andi %sign3A_422, %sign3A_424 : vector<16xi32>
      %sign3A_426 = arith.constant 1065353216 : i32
      %sign3A_427 = vector.broadcast %sign3A_426 : i32 to vector<16xi32>
      %sign3A_428 = arith.ori %sign3A_427, %sign3A_425 : vector<16xi32>
      %sign3A_429 = tpu.bitcast %sign3A_428 : vector<16xi32> -> vector<16xf32>
      %sign3A_430 = math.absf %min3A_420 : vector<16xf32>
      %sign3A_431 = arith.constant 0.000000e+00 : f32
      %sign3A_432 = vector.broadcast %sign3A_431 : f32 to vector<16xf32>
      %sign3A_433 = arith.cmpf ogt, %sign3A_430, %sign3A_432 : vector<16xf32>
      %sign3A_434 = arith.select %sign3A_433, %sign3A_429, %min3A_420 : vector<16xi1>, vector<16xf32>
      %add3A_435 = arith.constant 1.000000e+00 : f32
      %add3A_436 = vector.broadcast %add3A_435 : f32 to vector<16xf32>
      %add3A_437 = arith.addf %abs3A_421, %add3A_436 : vector<16xf32>
      %bitcast_convert_type3A_438 = tpu.bitcast %add3A_437 : vector<16xf32> -> vector<16xi32>
      %shift_right_arithmetic3A_439 = arith.constant 1 : i32
      %shift_right_arithmetic3A_440 = vector.broadcast %shift_right_arithmetic3A_439 : i32 to vector<16xi32>
      %shift_right_arithmetic3A_441 = arith.shrsi %bitcast_convert_type3A_438, %shift_right_arithmetic3A_440 : vector<16xi32>
      %add3A_442 = arith.constant 532487669 : i32
      %add3A_443 = vector.broadcast %add3A_442 : i32 to vector<16xi32>
      %add3A_444 = arith.addi %shift_right_arithmetic3A_441, %add3A_443 : vector<16xi32>
      %bitcast_convert_type3A_445 = tpu.bitcast %add3A_444 : vector<16xi32> -> vector<16xf32>
      %div3A_446 = arith.divf %add3A_437, %bitcast_convert_type3A_445 : vector<16xf32>
      %add3A_447 = arith.addf %bitcast_convert_type3A_445, %div3A_446 : vector<16xf32>
      %mul3A_448 = arith.constant 5.000000e-01 : f32
      %mul3A_449 = vector.broadcast %mul3A_448 : f32 to vector<16xf32>
      %mul3A_450 = arith.mulf %mul3A_449, %add3A_447 : vector<16xf32>
      %div3A_451 = arith.divf %add3A_437, %mul3A_450 : vector<16xf32>
      %add3A_452 = arith.addf %mul3A_450, %div3A_451 : vector<16xf32>
      %mul3A_453 = arith.constant 5.000000e-01 : f32
      %mul3A_454 = vector.broadcast %mul3A_453 : f32 to vector<16xf32>
      %mul3A_455 = arith.mulf %mul3A_454, %add3A_452 : vector<16xf32>
      %div3A_456 = arith.divf %add3A_437, %mul3A_455 : vector<16xf32>
      %add3A_457 = arith.addf %mul3A_455, %div3A_456 : vector<16xf32>
      %mul3A_458 = arith.constant 5.000000e-01 : f32
      %mul3A_459 = vector.broadcast %mul3A_458 : f32 to vector<16xf32>
      %mul3A_460 = arith.mulf %mul3A_459, %add3A_457 : vector<16xf32>
      %sub3A_461 = arith.constant 1.000000e+00 : f32
      %sub3A_462 = vector.broadcast %sub3A_461 : f32 to vector<16xf32>
      %sub3A_463 = arith.subf %mul3A_460, %sub3A_462 : vector<16xf32>
      %mul3A_464 = arith.constant 1.000000e-03 : f32
      %mul3A_465 = vector.broadcast %mul3A_464 : f32 to vector<16xf32>
      %mul3A_466 = arith.mulf %mul3A_465, %abs3A_421 : vector<16xf32>
      %add3A_467 = arith.addf %sub3A_463, %mul3A_466 : vector<16xf32>
      %mul3A_468 = arith.mulf %sign3A_434, %add3A_467 : vector<16xf32>
      %add3A_469 = arith.constant 3.000000e+02 : f32
      %add3A_470 = vector.broadcast %add3A_469 : f32 to vector<16xf32>
      %add3A_471 = arith.addf %mul3A_468, %add3A_470 : vector<16xf32>
      %convert_element_type3A_472 = arith.fptosi %add3A_471 : vector<16xf32> to vector<16xi32>
      %jit3A_473 = arith.constant 0 : i32
      %jit3A_474 = arith.constant 599 : i32
      %max3A_475 = vector.broadcast %jit3A_473 : i32 to vector<16xi32>
      %max3A_476 = arith.maxsi %max3A_475, %convert_element_type3A_472 : vector<16xi32>
      %min3A_477 = vector.broadcast %jit3A_474 : i32 to vector<16xi32>
      %min3A_478 = arith.minsi %min3A_477, %max3A_476 : vector<16xi32>
      %gather3A_479 = tpu.vector_load_idx %arg7[%min3A_478] : memref<601xf32, #tpu.memory_space<vmem>>[vector<16xi32>], vector<16xf32>,
      %add3A_480 = arith.constant 1 : i32
      %add3A_481 = vector.broadcast %add3A_480 : i32 to vector<16xi32>
      %add3A_482 = arith.addi %min3A_478, %add3A_481 : vector<16xi32>
      %gather3A_483 = tpu.vector_load_idx %arg7[%add3A_482] : memref<601xf32, #tpu.memory_space<vmem>>[vector<16xi32>], vector<16xf32>,
      %lt3A_484 = arith.cmpf olt, %gather3A_483, %min3A_420 : vector<16xf32>
      %add3A_485 = arith.constant 1 : i32
      %add3A_486 = vector.broadcast %add3A_485 : i32 to vector<16xi32>
      %add3A_487 = arith.addi %min3A_478, %add3A_486 : vector<16xi32>
      %le3A_488 = arith.cmpf ole, %min3A_420, %gather3A_479 : vector<16xf32>
      %sub3A_489 = arith.constant 1 : i32
      %sub3A_490 = vector.broadcast %sub3A_489 : i32 to vector<16xi32>
      %sub3A_491 = arith.subi %min3A_478, %sub3A_490 : vector<16xi32>
      %select_n3A_492 = arith.select %le3A_488, %sub3A_491, %min3A_478 : vector<16xi1>, vector<16xi32>
      %select_n3A_493 = arith.select %lt3A_484, %add3A_487, %select_n3A_492 : vector<16xi1>, vector<16xi32>
      %jit3A_494 = arith.constant 0 : i32
      %jit3A_495 = arith.constant 599 : i32
      %max3A_496 = vector.broadcast %jit3A_494 : i32 to vector<16xi32>
      %max3A_497 = arith.maxsi %max3A_496, %select_n3A_493 : vector<16xi32>
      %min3A_498 = vector.broadcast %jit3A_495 : i32 to vector<16xi32>
      %min3A_499 = arith.minsi %min3A_498, %max3A_497 : vector<16xi32>
      %gather3A_500 = tpu.vector_load_idx %arg7[%min3A_499] : memref<601xf32, #tpu.memory_space<vmem>>[vector<16xi32>], vector<16xf32>,
      %add3A_501 = arith.constant 1 : i32
      %add3A_502 = vector.broadcast %add3A_501 : i32 to vector<16xi32>
      %add3A_503 = arith.addi %min3A_499, %add3A_502 : vector<16xi32>
      %gather3A_504 = tpu.vector_load_idx %arg7[%add3A_503] : memref<601xf32, #tpu.memory_space<vmem>>[vector<16xi32>], vector<16xf32>,
      %sub3A_505 = arith.subf %gather3A_504, %min3A_420 : vector<16xf32>
      %sub3A_506 = arith.subf %gather3A_504, %gather3A_500 : vector<16xf32>
      %div3A_507 = arith.divf %sub3A_505, %sub3A_506 : vector<16xf32>
      %sub3A_508 = arith.constant 1.000000e+00 : f32
      %sub3A_509 = vector.broadcast %sub3A_508 : f32 to vector<16xf32>
      %sub3A_510 = arith.subf %sub3A_509, %div3A_507 : vector<16xf32>
      %add3A_511 = arith.constant 48 : i32
      %add3A_512 = vector.broadcast %add3A_511 : i32 to vector<16xi32>
      %add3A_513 = arith.addi %iota3A, %add3A_512 : vector<16xi32>
      tpu.vector_store_idx %arg8[%add3A_513, %min3A_499], %div3A_507 : memref<64x601xf32, #tpu.memory_space<vmem>>[vector<16xi32>, vector<16xi32>], vector<16xf32>,
      %add3A_514 = arith.constant 1 : i32
      %add3A_515 = vector.broadcast %add3A_514 : i32 to vector<16xi32>
      %add3A_516 = arith.addi %min3A_499, %add3A_515 : vector<16xi32>
      tpu.vector_store_idx %arg8[%add3A_513, %add3A_516], %sub3A_510 : memref<64x601xf32, #tpu.memory_space<vmem>>[vector<16xi32>, vector<16xi32>], vector<16xf32>,
      %swap3A_517 = arith.constant 48 : index
      %swap3A_518 = tpu.vector_load %arg10[%swap3A_517] {strides = array<i32>} : memref<128xi32, #tpu.memory_space<vmem>>, vector<16xi32>,
      tpu.vector_store %arg10[%swap3A_517], %min3A_499 {strides = array<i32>} : memref<128xi32, #tpu.memory_space<vmem>>, vector<16xi32>,
      %dma_start3A = arith.constant 0 : i32
      %dma_start3A_519 = tpu.memref_slice %arg5[%add3A_58, %dma_start3A] : memref<65536x601xf32, #tpu.memory_space<hbm>> -> memref<64x601xf32, #tpu.memory_space<hbm>>
      %dma_start3A_520 = arith.constant 0 : i32
      %dma_start3A_521 = tpu.memref_slice %arg5[%add3A_58, %dma_start3A_520] : memref<65536x601xf32, #tpu.memory_space<hbm>> -> memref<64x601xf32, #tpu.memory_space<hbm>>
      tpu.enqueue_dma source(%arg8 : memref<64x601xf32, #tpu.memory_space<vmem>>) target(%dma_start3A_521 : memref<64x601xf32, #tpu.memory_space<hbm>>) target_semaphore(%arg11 : memref<!tpu.dma_semaphore, #tpu.memory_space<semaphore_mem>>)
      %mul3A_522 = arith.constant 2 : i32
      %mul3A_523 = arith.muli %scan3A_51, %mul3A_522 : i32
      %add3A_524 = arith.constant 1 : i32
      %add3A_525 = arith.addi %mul3A_523, %add3A_524 : i32
      %mul3A_526 = arith.constant 64 : i32
      %mul3A_527 = arith.muli %add3A_525, %mul3A_526 : i32
      %add3A_528 = arith.addi %mul3A_2, %mul3A_527 : i32
      %ge3A_529 = arith.constant 2 : i32
      %ge3A_530 = arith.cmpi sge, %add3A_525, %ge3A_529 : i32
      %convert_element_type3A_531 = arith.extui %ge3A_530 : i1 to i32
      %cond3A_532 = arith.constant 0 : i32
      %cond3A_533 = arith.cmpi ne, %convert_element_type3A_531, %cond3A_532 : i32
      scf.if %cond3A_533 {
        %sub3A_1010 = arith.constant 128 : i32
        %sub3A_1011 = arith.subi %add3A_528, %sub3A_1010 : i32
        %dma_wait3A_1012 = arith.constant 0 : i32
        %dma_wait3A_1013 = tpu.memref_slice %arg5[%sub3A_1011, %dma_wait3A_1012] : memref<65536x601xf32, #tpu.memory_space<hbm>> -> memref<64x601xf32, #tpu.memory_space<hbm>>
        %dma_wait3A_1014 = arith.constant 0 : i32
        %dma_wait3A_1015 = tpu.memref_slice %arg5[%sub3A_1011, %dma_wait3A_1014] : memref<65536x601xf32, #tpu.memory_space<hbm>> -> memref<64x601xf32, #tpu.memory_space<hbm>>
        tpu.wait_dma2 semaphore(%arg12 : memref<!tpu.dma_semaphore, #tpu.memory_space<semaphore_mem>>) src(%arg9 : memref<64x601xf32, #tpu.memory_space<vmem>>) dst(%dma_wait3A_1015 : memref<64x601xf32, #tpu.memory_space<hbm>>)
      } else {
      }
      %add3A_534 = arith.constant 0 : i32
      %add3A_535 = vector.broadcast %add3A_534 : i32 to vector<16xi32>
      %add3A_536 = arith.addi %iota3A, %add3A_535 : vector<16xi32>
      %get3A_537 = arith.constant 64 : index
      %get3A_538 = tpu.vector_load %arg10[%get3A_537] {strides = array<i32>} : memref<128xi32, #tpu.memory_space<vmem>>, vector<16xi32>,
      tpu.vector_store_idx %arg9[%add3A_536, %get3A_538], %broadcast_in_dim3A_3 : memref<64x601xf32, #tpu.memory_space<vmem>>[vector<16xi32>, vector<16xi32>], vector<16xf32>,
      %add3A_539 = arith.constant 1 : i32
      %add3A_540 = vector.broadcast %add3A_539 : i32 to vector<16xi32>
      %add3A_541 = arith.addi %get3A_538, %add3A_540 : vector<16xi32>
      tpu.vector_store_idx %arg9[%add3A_536, %add3A_541], %broadcast_in_dim3A_3 : memref<64x601xf32, #tpu.memory_space<vmem>>[vector<16xi32>, vector<16xi32>], vector<16xf32>,
      %add3A_542 = arith.constant 16 : i32
      %add3A_543 = vector.broadcast %add3A_542 : i32 to vector<16xi32>
      %add3A_544 = arith.addi %iota3A, %add3A_543 : vector<16xi32>
      %get3A_545 = arith.constant 80 : index
      %get3A_546 = tpu.vector_load %arg10[%get3A_545] {strides = array<i32>} : memref<128xi32, #tpu.memory_space<vmem>>, vector<16xi32>,
      tpu.vector_store_idx %arg9[%add3A_544, %get3A_546], %broadcast_in_dim3A_3 : memref<64x601xf32, #tpu.memory_space<vmem>>[vector<16xi32>, vector<16xi32>], vector<16xf32>,
      %add3A_547 = arith.constant 1 : i32
      %add3A_548 = vector.broadcast %add3A_547 : i32 to vector<16xi32>
      %add3A_549 = arith.addi %get3A_546, %add3A_548 : vector<16xi32>
      tpu.vector_store_idx %arg9[%add3A_544, %add3A_549], %broadcast_in_dim3A_3 : memref<64x601xf32, #tpu.memory_space<vmem>>[vector<16xi32>, vector<16xi32>], vector<16xf32>,
      %add3A_550 = arith.constant 32 : i32
      %add3A_551 = vector.broadcast %add3A_550 : i32 to vector<16xi32>
      %add3A_552 = arith.addi %iota3A, %add3A_551 : vector<16xi32>
      %get3A_553 = arith.constant 96 : index
      %get3A_554 = tpu.vector_load %arg10[%get3A_553] {strides = array<i32>} : memref<128xi32, #tpu.memory_space<vmem>>, vector<16xi32>,
      tpu.vector_store_idx %arg9[%add3A_552, %get3A_554], %broadcast_in_dim3A_3 : memref<64x601xf32, #tpu.memory_space<vmem>>[vector<16xi32>, vector<16xi32>], vector<16xf32>,
      %add3A_555 = arith.constant 1 : i32
      %add3A_556 = vector.broadcast %add3A_555 : i32 to vector<16xi32>
      %add3A_557 = arith.addi %get3A_554, %add3A_556 : vector<16xi32>
      tpu.vector_store_idx %arg9[%add3A_552, %add3A_557], %broadcast_in_dim3A_3 : memref<64x601xf32, #tpu.memory_space<vmem>>[vector<16xi32>, vector<16xi32>], vector<16xf32>,
      %add3A_558 = arith.constant 48 : i32
      %add3A_559 = vector.broadcast %add3A_558 : i32 to vector<16xi32>
      %add3A_560 = arith.addi %iota3A, %add3A_559 : vector<16xi32>
      %get3A_561 = arith.constant 112 : index
      %get3A_562 = tpu.vector_load %arg10[%get3A_561] {strides = array<i32>} : memref<128xi32, #tpu.memory_space<vmem>>, vector<16xi32>,
      tpu.vector_store_idx %arg9[%add3A_560, %get3A_562], %broadcast_in_dim3A_3 : memref<64x601xf32, #tpu.memory_space<vmem>>[vector<16xi32>, vector<16xi32>], vector<16xf32>,
      %add3A_563 = arith.constant 1 : i32
      %add3A_564 = vector.broadcast %add3A_563 : i32 to vector<16xi32>
      %add3A_565 = arith.addi %get3A_562, %add3A_564 : vector<16xi32>
      tpu.vector_store_idx %arg9[%add3A_560, %add3A_565], %broadcast_in_dim3A_3 : memref<64x601xf32, #tpu.memory_space<vmem>>[vector<16xi32>, vector<16xi32>], vector<16xf32>,
      %mul3A_566 = arith.constant 64 : i32
      %mul3A_567 = arith.muli %add3A_525, %mul3A_566 : i32
      %add3A_568 = arith.constant 0 : i32
      %add3A_569 = arith.addi %mul3A_567, %add3A_568 : i32
      %get3A_570 = arith.index_cast %add3A_569 : i32 to index
      %get3A_571 = tpu.vector_load %arg6[%get3A_570] {strides = array<i32>} : memref<2048xf32, #tpu.memory_space<vmem>>, vector<16xf32>,
      %jit3A_572 = arith.constant -58705.5859 : f32
      %jit3A_573 = arith.constant 58705.5859 : f32
      %max3A_574 = vector.broadcast %jit3A_572 : f32 to vector<16xf32>
      %max3A_575 = arith.maximumf %max3A_574, %get3A_571 : vector<16xf32>
      %min3A_576 = vector.broadcast %jit3A_573 : f32 to vector<16xf32>
      %min3A_577 = arith.minimumf %min3A_576, %max3A_575 : vector<16xf32>
      %abs3A_578 = math.absf %min3A_577 : vector<16xf32>
      %sign3A_579 = tpu.bitcast %min3A_577 : vector<16xf32> -> vector<16xi32>
      %sign3A_580 = arith.constant -2147483648 : i32
      %sign3A_581 = vector.broadcast %sign3A_580 : i32 to vector<16xi32>
      %sign3A_582 = arith.andi %sign3A_579, %sign3A_581 : vector<16xi32>
      %sign3A_583 = arith.constant 1065353216 : i32
      %sign3A_584 = vector.broadcast %sign3A_583 : i32 to vector<16xi32>
      %sign3A_585 = arith.ori %sign3A_584, %sign3A_582 : vector<16xi32>
      %sign3A_586 = tpu.bitcast %sign3A_585 : vector<16xi32> -> vector<16xf32>
      %sign3A_587 = math.absf %min3A_577 : vector<16xf32>
      %sign3A_588 = arith.constant 0.000000e+00 : f32
      %sign3A_589 = vector.broadcast %sign3A_588 : f32 to vector<16xf32>
      %sign3A_590 = arith.cmpf ogt, %sign3A_587, %sign3A_589 : vector<16xf32>
      %sign3A_591 = arith.select %sign3A_590, %sign3A_586, %min3A_577 : vector<16xi1>, vector<16xf32>
      %add3A_592 = arith.constant 1.000000e+00 : f32
      %add3A_593 = vector.broadcast %add3A_592 : f32 to vector<16xf32>
      %add3A_594 = arith.addf %abs3A_578, %add3A_593 : vector<16xf32>
      %bitcast_convert_type3A_595 = tpu.bitcast %add3A_594 : vector<16xf32> -> vector<16xi32>
      %shift_right_arithmetic3A_596 = arith.constant 1 : i32
      %shift_right_arithmetic3A_597 = vector.broadcast %shift_right_arithmetic3A_596 : i32 to vector<16xi32>
      %shift_right_arithmetic3A_598 = arith.shrsi %bitcast_convert_type3A_595, %shift_right_arithmetic3A_597 : vector<16xi32>
      %add3A_599 = arith.constant 532487669 : i32
      %add3A_600 = vector.broadcast %add3A_599 : i32 to vector<16xi32>
      %add3A_601 = arith.addi %shift_right_arithmetic3A_598, %add3A_600 : vector<16xi32>
      %bitcast_convert_type3A_602 = tpu.bitcast %add3A_601 : vector<16xi32> -> vector<16xf32>
      %div3A_603 = arith.divf %add3A_594, %bitcast_convert_type3A_602 : vector<16xf32>
      %add3A_604 = arith.addf %bitcast_convert_type3A_602, %div3A_603 : vector<16xf32>
      %mul3A_605 = arith.constant 5.000000e-01 : f32
      %mul3A_606 = vector.broadcast %mul3A_605 : f32 to vector<16xf32>
      %mul3A_607 = arith.mulf %mul3A_606, %add3A_604 : vector<16xf32>
      %div3A_608 = arith.divf %add3A_594, %mul3A_607 : vector<16xf32>
      %add3A_609 = arith.addf %mul3A_607, %div3A_608 : vector<16xf32>
      %mul3A_610 = arith.constant 5.000000e-01 : f32
      %mul3A_611 = vector.broadcast %mul3A_610 : f32 to vector<16xf32>
      %mul3A_612 = arith.mulf %mul3A_611, %add3A_609 : vector<16xf32>
      %div3A_613 = arith.divf %add3A_594, %mul3A_612 : vector<16xf32>
      %add3A_614 = arith.addf %mul3A_612, %div3A_613 : vector<16xf32>
      %mul3A_615 = arith.constant 5.000000e-01 : f32
      %mul3A_616 = vector.broadcast %mul3A_615 : f32 to vector<16xf32>
      %mul3A_617 = arith.mulf %mul3A_616, %add3A_614 : vector<16xf32>
      %sub3A_618 = arith.constant 1.000000e+00 : f32
      %sub3A_619 = vector.broadcast %sub3A_618 : f32 to vector<16xf32>
      %sub3A_620 = arith.subf %mul3A_617, %sub3A_619 : vector<16xf32>
      %mul3A_621 = arith.constant 1.000000e-03 : f32
      %mul3A_622 = vector.broadcast %mul3A_621 : f32 to vector<16xf32>
      %mul3A_623 = arith.mulf %mul3A_622, %abs3A_578 : vector<16xf32>
      %add3A_624 = arith.addf %sub3A_620, %mul3A_623 : vector<16xf32>
      %mul3A_625 = arith.mulf %sign3A_591, %add3A_624 : vector<16xf32>
      %add3A_626 = arith.constant 3.000000e+02 : f32
      %add3A_627 = vector.broadcast %add3A_626 : f32 to vector<16xf32>
      %add3A_628 = arith.addf %mul3A_625, %add3A_627 : vector<16xf32>
      %convert_element_type3A_629 = arith.fptosi %add3A_628 : vector<16xf32> to vector<16xi32>
      %jit3A_630 = arith.constant 0 : i32
      %jit3A_631 = arith.constant 599 : i32
      %max3A_632 = vector.broadcast %jit3A_630 : i32 to vector<16xi32>
      %max3A_633 = arith.maxsi %max3A_632, %convert_element_type3A_629 : vector<16xi32>
      %min3A_634 = vector.broadcast %jit3A_631 : i32 to vector<16xi32>
      %min3A_635 = arith.minsi %min3A_634, %max3A_633 : vector<16xi32>
      %gather3A_636 = tpu.vector_load_idx %arg7[%min3A_635] : memref<601xf32, #tpu.memory_space<vmem>>[vector<16xi32>], vector<16xf32>,
      %add3A_637 = arith.constant 1 : i32
      %add3A_638 = vector.broadcast %add3A_637 : i32 to vector<16xi32>
      %add3A_639 = arith.addi %min3A_635, %add3A_638 : vector<16xi32>
      %gather3A_640 = tpu.vector_load_idx %arg7[%add3A_639] : memref<601xf32, #tpu.memory_space<vmem>>[vector<16xi32>], vector<16xf32>,
      %lt3A_641 = arith.cmpf olt, %gather3A_640, %min3A_577 : vector<16xf32>
      %add3A_642 = arith.constant 1 : i32
      %add3A_643 = vector.broadcast %add3A_642 : i32 to vector<16xi32>
      %add3A_644 = arith.addi %min3A_635, %add3A_643 : vector<16xi32>
      %le3A_645 = arith.cmpf ole, %min3A_577, %gather3A_636 : vector<16xf32>
      %sub3A_646 = arith.constant 1 : i32
      %sub3A_647 = vector.broadcast %sub3A_646 : i32 to vector<16xi32>
      %sub3A_648 = arith.subi %min3A_635, %sub3A_647 : vector<16xi32>
      %select_n3A_649 = arith.select %le3A_645, %sub3A_648, %min3A_635 : vector<16xi1>, vector<16xi32>
      %select_n3A_650 = arith.select %lt3A_641, %add3A_644, %select_n3A_649 : vector<16xi1>, vector<16xi32>
      %jit3A_651 = arith.constant 0 : i32
      %jit3A_652 = arith.constant 599 : i32
      %max3A_653 = vector.broadcast %jit3A_651 : i32 to vector<16xi32>
      %max3A_654 = arith.maxsi %max3A_653, %select_n3A_650 : vector<16xi32>
      %min3A_655 = vector.broadcast %jit3A_652 : i32 to vector<16xi32>
      %min3A_656 = arith.minsi %min3A_655, %max3A_654 : vector<16xi32>
      %gather3A_657 = tpu.vector_load_idx %arg7[%min3A_656] : memref<601xf32, #tpu.memory_space<vmem>>[vector<16xi32>], vector<16xf32>,
      %add3A_658 = arith.constant 1 : i32
      %add3A_659 = vector.broadcast %add3A_658 : i32 to vector<16xi32>
      %add3A_660 = arith.addi %min3A_656, %add3A_659 : vector<16xi32>
      %gather3A_661 = tpu.vector_load_idx %arg7[%add3A_660] : memref<601xf32, #tpu.memory_space<vmem>>[vector<16xi32>], vector<16xf32>,
      %sub3A_662 = arith.subf %gather3A_661, %min3A_577 : vector<16xf32>
      %sub3A_663 = arith.subf %gather3A_661, %gather3A_657 : vector<16xf32>
      %div3A_664 = arith.divf %sub3A_662, %sub3A_663 : vector<16xf32>
      %sub3A_665 = arith.constant 1.000000e+00 : f32
      %sub3A_666 = vector.broadcast %sub3A_665 : f32 to vector<16xf32>
      %sub3A_667 = arith.subf %sub3A_666, %div3A_664 : vector<16xf32>
      %add3A_668 = arith.constant 0 : i32
      %add3A_669 = vector.broadcast %add3A_668 : i32 to vector<16xi32>
      %add3A_670 = arith.addi %iota3A, %add3A_669 : vector<16xi32>
      tpu.vector_store_idx %arg9[%add3A_670, %min3A_656], %div3A_664 : memref<64x601xf32, #tpu.memory_space<vmem>>[vector<16xi32>, vector<16xi32>], vector<16xf32>,
      %add3A_671 = arith.constant 1 : i32
      %add3A_672 = vector.broadcast %add3A_671 : i32 to vector<16xi32>
      %add3A_673 = arith.addi %min3A_656, %add3A_672 : vector<16xi32>
      tpu.vector_store_idx %arg9[%add3A_670, %add3A_673], %sub3A_667 : memref<64x601xf32, #tpu.memory_space<vmem>>[vector<16xi32>, vector<16xi32>], vector<16xf32>,
      %swap3A_674 = arith.constant 64 : index
      %swap3A_675 = tpu.vector_load %arg10[%swap3A_674] {strides = array<i32>} : memref<128xi32, #tpu.memory_space<vmem>>, vector<16xi32>,
      tpu.vector_store %arg10[%swap3A_674], %min3A_656 {strides = array<i32>} : memref<128xi32, #tpu.memory_space<vmem>>, vector<16xi32>,
      %mul3A_676 = arith.constant 64 : i32
      %mul3A_677 = arith.muli %add3A_525, %mul3A_676 : i32
      %add3A_678 = arith.constant 16 : i32
      %add3A_679 = arith.addi %mul3A_677, %add3A_678 : i32
      %get3A_680 = arith.index_cast %add3A_679 : i32 to index
      %get3A_681 = tpu.vector_load %arg6[%get3A_680] {strides = array<i32>} : memref<2048xf32, #tpu.memory_space<vmem>>, vector<16xf32>,
      %jit3A_682 = arith.constant -58705.5859 : f32
      %jit3A_683 = arith.constant 58705.5859 : f32
      %max3A_684 = vector.broadcast %jit3A_682 : f32 to vector<16xf32>
      %max3A_685 = arith.maximumf %max3A_684, %get3A_681 : vector<16xf32>
      %min3A_686 = vector.broadcast %jit3A_683 : f32 to vector<16xf32>
      %min3A_687 = arith.minimumf %min3A_686, %max3A_685 : vector<16xf32>
      %abs3A_688 = math.absf %min3A_687 : vector<16xf32>
      %sign3A_689 = tpu.bitcast %min3A_687 : vector<16xf32> -> vector<16xi32>
      %sign3A_690 = arith.constant -2147483648 : i32
      %sign3A_691 = vector.broadcast %sign3A_690 : i32 to vector<16xi32>
      %sign3A_692 = arith.andi %sign3A_689, %sign3A_691 : vector<16xi32>
      %sign3A_693 = arith.constant 1065353216 : i32
      %sign3A_694 = vector.broadcast %sign3A_693 : i32 to vector<16xi32>
      %sign3A_695 = arith.ori %sign3A_694, %sign3A_692 : vector<16xi32>
      %sign3A_696 = tpu.bitcast %sign3A_695 : vector<16xi32> -> vector<16xf32>
      %sign3A_697 = math.absf %min3A_687 : vector<16xf32>
      %sign3A_698 = arith.constant 0.000000e+00 : f32
      %sign3A_699 = vector.broadcast %sign3A_698 : f32 to vector<16xf32>
      %sign3A_700 = arith.cmpf ogt, %sign3A_697, %sign3A_699 : vector<16xf32>
      %sign3A_701 = arith.select %sign3A_700, %sign3A_696, %min3A_687 : vector<16xi1>, vector<16xf32>
      %add3A_702 = arith.constant 1.000000e+00 : f32
      %add3A_703 = vector.broadcast %add3A_702 : f32 to vector<16xf32>
      %add3A_704 = arith.addf %abs3A_688, %add3A_703 : vector<16xf32>
      %bitcast_convert_type3A_705 = tpu.bitcast %add3A_704 : vector<16xf32> -> vector<16xi32>
      %shift_right_arithmetic3A_706 = arith.constant 1 : i32
      %shift_right_arithmetic3A_707 = vector.broadcast %shift_right_arithmetic3A_706 : i32 to vector<16xi32>
      %shift_right_arithmetic3A_708 = arith.shrsi %bitcast_convert_type3A_705, %shift_right_arithmetic3A_707 : vector<16xi32>
      %add3A_709 = arith.constant 532487669 : i32
      %add3A_710 = vector.broadcast %add3A_709 : i32 to vector<16xi32>
      %add3A_711 = arith.addi %shift_right_arithmetic3A_708, %add3A_710 : vector<16xi32>
      %bitcast_convert_type3A_712 = tpu.bitcast %add3A_711 : vector<16xi32> -> vector<16xf32>
      %div3A_713 = arith.divf %add3A_704, %bitcast_convert_type3A_712 : vector<16xf32>
      %add3A_714 = arith.addf %bitcast_convert_type3A_712, %div3A_713 : vector<16xf32>
      %mul3A_715 = arith.constant 5.000000e-01 : f32
      %mul3A_716 = vector.broadcast %mul3A_715 : f32 to vector<16xf32>
      %mul3A_717 = arith.mulf %mul3A_716, %add3A_714 : vector<16xf32>
      %div3A_718 = arith.divf %add3A_704, %mul3A_717 : vector<16xf32>
      %add3A_719 = arith.addf %mul3A_717, %div3A_718 : vector<16xf32>
      %mul3A_720 = arith.constant 5.000000e-01 : f32
      %mul3A_721 = vector.broadcast %mul3A_720 : f32 to vector<16xf32>
      %mul3A_722 = arith.mulf %mul3A_721, %add3A_719 : vector<16xf32>
      %div3A_723 = arith.divf %add3A_704, %mul3A_722 : vector<16xf32>
      %add3A_724 = arith.addf %mul3A_722, %div3A_723 : vector<16xf32>
      %mul3A_725 = arith.constant 5.000000e-01 : f32
      %mul3A_726 = vector.broadcast %mul3A_725 : f32 to vector<16xf32>
      %mul3A_727 = arith.mulf %mul3A_726, %add3A_724 : vector<16xf32>
      %sub3A_728 = arith.constant 1.000000e+00 : f32
      %sub3A_729 = vector.broadcast %sub3A_728 : f32 to vector<16xf32>
      %sub3A_730 = arith.subf %mul3A_727, %sub3A_729 : vector<16xf32>
      %mul3A_731 = arith.constant 1.000000e-03 : f32
      %mul3A_732 = vector.broadcast %mul3A_731 : f32 to vector<16xf32>
      %mul3A_733 = arith.mulf %mul3A_732, %abs3A_688 : vector<16xf32>
      %add3A_734 = arith.addf %sub3A_730, %mul3A_733 : vector<16xf32>
      %mul3A_735 = arith.mulf %sign3A_701, %add3A_734 : vector<16xf32>
      %add3A_736 = arith.constant 3.000000e+02 : f32
      %add3A_737 = vector.broadcast %add3A_736 : f32 to vector<16xf32>
      %add3A_738 = arith.addf %mul3A_735, %add3A_737 : vector<16xf32>
      %convert_element_type3A_739 = arith.fptosi %add3A_738 : vector<16xf32> to vector<16xi32>
      %jit3A_740 = arith.constant 0 : i32
      %jit3A_741 = arith.constant 599 : i32
      %max3A_742 = vector.broadcast %jit3A_740 : i32 to vector<16xi32>
      %max3A_743 = arith.maxsi %max3A_742, %convert_element_type3A_739 : vector<16xi32>
      %min3A_744 = vector.broadcast %jit3A_741 : i32 to vector<16xi32>
      %min3A_745 = arith.minsi %min3A_744, %max3A_743 : vector<16xi32>
      %gather3A_746 = tpu.vector_load_idx %arg7[%min3A_745] : memref<601xf32, #tpu.memory_space<vmem>>[vector<16xi32>], vector<16xf32>,
      %add3A_747 = arith.constant 1 : i32
      %add3A_748 = vector.broadcast %add3A_747 : i32 to vector<16xi32>
      %add3A_749 = arith.addi %min3A_745, %add3A_748 : vector<16xi32>
      %gather3A_750 = tpu.vector_load_idx %arg7[%add3A_749] : memref<601xf32, #tpu.memory_space<vmem>>[vector<16xi32>], vector<16xf32>,
      %lt3A_751 = arith.cmpf olt, %gather3A_750, %min3A_687 : vector<16xf32>
      %add3A_752 = arith.constant 1 : i32
      %add3A_753 = vector.broadcast %add3A_752 : i32 to vector<16xi32>
      %add3A_754 = arith.addi %min3A_745, %add3A_753 : vector<16xi32>
      %le3A_755 = arith.cmpf ole, %min3A_687, %gather3A_746 : vector<16xf32>
      %sub3A_756 = arith.constant 1 : i32
      %sub3A_757 = vector.broadcast %sub3A_756 : i32 to vector<16xi32>
      %sub3A_758 = arith.subi %min3A_745, %sub3A_757 : vector<16xi32>
      %select_n3A_759 = arith.select %le3A_755, %sub3A_758, %min3A_745 : vector<16xi1>, vector<16xi32>
      %select_n3A_760 = arith.select %lt3A_751, %add3A_754, %select_n3A_759 : vector<16xi1>, vector<16xi32>
      %jit3A_761 = arith.constant 0 : i32
      %jit3A_762 = arith.constant 599 : i32
      %max3A_763 = vector.broadcast %jit3A_761 : i32 to vector<16xi32>
      %max3A_764 = arith.maxsi %max3A_763, %select_n3A_760 : vector<16xi32>
      %min3A_765 = vector.broadcast %jit3A_762 : i32 to vector<16xi32>
      %min3A_766 = arith.minsi %min3A_765, %max3A_764 : vector<16xi32>
      %gather3A_767 = tpu.vector_load_idx %arg7[%min3A_766] : memref<601xf32, #tpu.memory_space<vmem>>[vector<16xi32>], vector<16xf32>,
      %add3A_768 = arith.constant 1 : i32
      %add3A_769 = vector.broadcast %add3A_768 : i32 to vector<16xi32>
      %add3A_770 = arith.addi %min3A_766, %add3A_769 : vector<16xi32>
      %gather3A_771 = tpu.vector_load_idx %arg7[%add3A_770] : memref<601xf32, #tpu.memory_space<vmem>>[vector<16xi32>], vector<16xf32>,
      %sub3A_772 = arith.subf %gather3A_771, %min3A_687 : vector<16xf32>
      %sub3A_773 = arith.subf %gather3A_771, %gather3A_767 : vector<16xf32>
      %div3A_774 = arith.divf %sub3A_772, %sub3A_773 : vector<16xf32>
      %sub3A_775 = arith.constant 1.000000e+00 : f32
      %sub3A_776 = vector.broadcast %sub3A_775 : f32 to vector<16xf32>
      %sub3A_777 = arith.subf %sub3A_776, %div3A_774 : vector<16xf32>
      %add3A_778 = arith.constant 16 : i32
      %add3A_779 = vector.broadcast %add3A_778 : i32 to vector<16xi32>
      %add3A_780 = arith.addi %iota3A, %add3A_779 : vector<16xi32>
      tpu.vector_store_idx %arg9[%add3A_780, %min3A_766], %div3A_774 : memref<64x601xf32, #tpu.memory_space<vmem>>[vector<16xi32>, vector<16xi32>], vector<16xf32>,
      %add3A_781 = arith.constant 1 : i32
      %add3A_782 = vector.broadcast %add3A_781 : i32 to vector<16xi32>
      %add3A_783 = arith.addi %min3A_766, %add3A_782 : vector<16xi32>
      tpu.vector_store_idx %arg9[%add3A_780, %add3A_783], %sub3A_777 : memref<64x601xf32, #tpu.memory_space<vmem>>[vector<16xi32>, vector<16xi32>], vector<16xf32>,
      %swap3A_784 = arith.constant 80 : index
      %swap3A_785 = tpu.vector_load %arg10[%swap3A_784] {strides = array<i32>} : memref<128xi32, #tpu.memory_space<vmem>>, vector<16xi32>,
      tpu.vector_store %arg10[%swap3A_784], %min3A_766 {strides = array<i32>} : memref<128xi32, #tpu.memory_space<vmem>>, vector<16xi32>,
      %mul3A_786 = arith.constant 64 : i32
      %mul3A_787 = arith.muli %add3A_525, %mul3A_786 : i32
      %add3A_788 = arith.constant 32 : i32
      %add3A_789 = arith.addi %mul3A_787, %add3A_788 : i32
      %get3A_790 = arith.index_cast %add3A_789 : i32 to index
      %get3A_791 = tpu.vector_load %arg6[%get3A_790] {strides = array<i32>} : memref<2048xf32, #tpu.memory_space<vmem>>, vector<16xf32>,
      %jit3A_792 = arith.constant -58705.5859 : f32
      %jit3A_793 = arith.constant 58705.5859 : f32
      %max3A_794 = vector.broadcast %jit3A_792 : f32 to vector<16xf32>
      %max3A_795 = arith.maximumf %max3A_794, %get3A_791 : vector<16xf32>
      %min3A_796 = vector.broadcast %jit3A_793 : f32 to vector<16xf32>
      %min3A_797 = arith.minimumf %min3A_796, %max3A_795 : vector<16xf32>
      %abs3A_798 = math.absf %min3A_797 : vector<16xf32>
      %sign3A_799 = tpu.bitcast %min3A_797 : vector<16xf32> -> vector<16xi32>
      %sign3A_800 = arith.constant -2147483648 : i32
      %sign3A_801 = vector.broadcast %sign3A_800 : i32 to vector<16xi32>
      %sign3A_802 = arith.andi %sign3A_799, %sign3A_801 : vector<16xi32>
      %sign3A_803 = arith.constant 1065353216 : i32
      %sign3A_804 = vector.broadcast %sign3A_803 : i32 to vector<16xi32>
      %sign3A_805 = arith.ori %sign3A_804, %sign3A_802 : vector<16xi32>
      %sign3A_806 = tpu.bitcast %sign3A_805 : vector<16xi32> -> vector<16xf32>
      %sign3A_807 = math.absf %min3A_797 : vector<16xf32>
      %sign3A_808 = arith.constant 0.000000e+00 : f32
      %sign3A_809 = vector.broadcast %sign3A_808 : f32 to vector<16xf32>
      %sign3A_810 = arith.cmpf ogt, %sign3A_807, %sign3A_809 : vector<16xf32>
      %sign3A_811 = arith.select %sign3A_810, %sign3A_806, %min3A_797 : vector<16xi1>, vector<16xf32>
      %add3A_812 = arith.constant 1.000000e+00 : f32
      %add3A_813 = vector.broadcast %add3A_812 : f32 to vector<16xf32>
      %add3A_814 = arith.addf %abs3A_798, %add3A_813 : vector<16xf32>
      %bitcast_convert_type3A_815 = tpu.bitcast %add3A_814 : vector<16xf32> -> vector<16xi32>
      %shift_right_arithmetic3A_816 = arith.constant 1 : i32
      %shift_right_arithmetic3A_817 = vector.broadcast %shift_right_arithmetic3A_816 : i32 to vector<16xi32>
      %shift_right_arithmetic3A_818 = arith.shrsi %bitcast_convert_type3A_815, %shift_right_arithmetic3A_817 : vector<16xi32>
      %add3A_819 = arith.constant 532487669 : i32
      %add3A_820 = vector.broadcast %add3A_819 : i32 to vector<16xi32>
      %add3A_821 = arith.addi %shift_right_arithmetic3A_818, %add3A_820 : vector<16xi32>
      %bitcast_convert_type3A_822 = tpu.bitcast %add3A_821 : vector<16xi32> -> vector<16xf32>
      %div3A_823 = arith.divf %add3A_814, %bitcast_convert_type3A_822 : vector<16xf32>
      %add3A_824 = arith.addf %bitcast_convert_type3A_822, %div3A_823 : vector<16xf32>
      %mul3A_825 = arith.constant 5.000000e-01 : f32
      %mul3A_826 = vector.broadcast %mul3A_825 : f32 to vector<16xf32>
      %mul3A_827 = arith.mulf %mul3A_826, %add3A_824 : vector<16xf32>
      %div3A_828 = arith.divf %add3A_814, %mul3A_827 : vector<16xf32>
      %add3A_829 = arith.addf %mul3A_827, %div3A_828 : vector<16xf32>
      %mul3A_830 = arith.constant 5.000000e-01 : f32
      %mul3A_831 = vector.broadcast %mul3A_830 : f32 to vector<16xf32>
      %mul3A_832 = arith.mulf %mul3A_831, %add3A_829 : vector<16xf32>
      %div3A_833 = arith.divf %add3A_814, %mul3A_832 : vector<16xf32>
      %add3A_834 = arith.addf %mul3A_832, %div3A_833 : vector<16xf32>
      %mul3A_835 = arith.constant 5.000000e-01 : f32
      %mul3A_836 = vector.broadcast %mul3A_835 : f32 to vector<16xf32>
      %mul3A_837 = arith.mulf %mul3A_836, %add3A_834 : vector<16xf32>
      %sub3A_838 = arith.constant 1.000000e+00 : f32
      %sub3A_839 = vector.broadcast %sub3A_838 : f32 to vector<16xf32>
      %sub3A_840 = arith.subf %mul3A_837, %sub3A_839 : vector<16xf32>
      %mul3A_841 = arith.constant 1.000000e-03 : f32
      %mul3A_842 = vector.broadcast %mul3A_841 : f32 to vector<16xf32>
      %mul3A_843 = arith.mulf %mul3A_842, %abs3A_798 : vector<16xf32>
      %add3A_844 = arith.addf %sub3A_840, %mul3A_843 : vector<16xf32>
      %mul3A_845 = arith.mulf %sign3A_811, %add3A_844 : vector<16xf32>
      %add3A_846 = arith.constant 3.000000e+02 : f32
      %add3A_847 = vector.broadcast %add3A_846 : f32 to vector<16xf32>
      %add3A_848 = arith.addf %mul3A_845, %add3A_847 : vector<16xf32>
      %convert_element_type3A_849 = arith.fptosi %add3A_848 : vector<16xf32> to vector<16xi32>
      %jit3A_850 = arith.constant 0 : i32
      %jit3A_851 = arith.constant 599 : i32
      %max3A_852 = vector.broadcast %jit3A_850 : i32 to vector<16xi32>
      %max3A_853 = arith.maxsi %max3A_852, %convert_element_type3A_849 : vector<16xi32>
      %min3A_854 = vector.broadcast %jit3A_851 : i32 to vector<16xi32>
      %min3A_855 = arith.minsi %min3A_854, %max3A_853 : vector<16xi32>
      %gather3A_856 = tpu.vector_load_idx %arg7[%min3A_855] : memref<601xf32, #tpu.memory_space<vmem>>[vector<16xi32>], vector<16xf32>,
      %add3A_857 = arith.constant 1 : i32
      %add3A_858 = vector.broadcast %add3A_857 : i32 to vector<16xi32>
      %add3A_859 = arith.addi %min3A_855, %add3A_858 : vector<16xi32>
      %gather3A_860 = tpu.vector_load_idx %arg7[%add3A_859] : memref<601xf32, #tpu.memory_space<vmem>>[vector<16xi32>], vector<16xf32>,
      %lt3A_861 = arith.cmpf olt, %gather3A_860, %min3A_797 : vector<16xf32>
      %add3A_862 = arith.constant 1 : i32
      %add3A_863 = vector.broadcast %add3A_862 : i32 to vector<16xi32>
      %add3A_864 = arith.addi %min3A_855, %add3A_863 : vector<16xi32>
      %le3A_865 = arith.cmpf ole, %min3A_797, %gather3A_856 : vector<16xf32>
      %sub3A_866 = arith.constant 1 : i32
      %sub3A_867 = vector.broadcast %sub3A_866 : i32 to vector<16xi32>
      %sub3A_868 = arith.subi %min3A_855, %sub3A_867 : vector<16xi32>
      %select_n3A_869 = arith.select %le3A_865, %sub3A_868, %min3A_855 : vector<16xi1>, vector<16xi32>
      %select_n3A_870 = arith.select %lt3A_861, %add3A_864, %select_n3A_869 : vector<16xi1>, vector<16xi32>
      %jit3A_871 = arith.constant 0 : i32
      %jit3A_872 = arith.constant 599 : i32
      %max3A_873 = vector.broadcast %jit3A_871 : i32 to vector<16xi32>
      %max3A_874 = arith.maxsi %max3A_873, %select_n3A_870 : vector<16xi32>
      %min3A_875 = vector.broadcast %jit3A_872 : i32 to vector<16xi32>
      %min3A_876 = arith.minsi %min3A_875, %max3A_874 : vector<16xi32>
      %gather3A_877 = tpu.vector_load_idx %arg7[%min3A_876] : memref<601xf32, #tpu.memory_space<vmem>>[vector<16xi32>], vector<16xf32>,
      %add3A_878 = arith.constant 1 : i32
      %add3A_879 = vector.broadcast %add3A_878 : i32 to vector<16xi32>
      %add3A_880 = arith.addi %min3A_876, %add3A_879 : vector<16xi32>
      %gather3A_881 = tpu.vector_load_idx %arg7[%add3A_880] : memref<601xf32, #tpu.memory_space<vmem>>[vector<16xi32>], vector<16xf32>,
      %sub3A_882 = arith.subf %gather3A_881, %min3A_797 : vector<16xf32>
      %sub3A_883 = arith.subf %gather3A_881, %gather3A_877 : vector<16xf32>
      %div3A_884 = arith.divf %sub3A_882, %sub3A_883 : vector<16xf32>
      %sub3A_885 = arith.constant 1.000000e+00 : f32
      %sub3A_886 = vector.broadcast %sub3A_885 : f32 to vector<16xf32>
      %sub3A_887 = arith.subf %sub3A_886, %div3A_884 : vector<16xf32>
      %add3A_888 = arith.constant 32 : i32
      %add3A_889 = vector.broadcast %add3A_888 : i32 to vector<16xi32>
      %add3A_890 = arith.addi %iota3A, %add3A_889 : vector<16xi32>
      tpu.vector_store_idx %arg9[%add3A_890, %min3A_876], %div3A_884 : memref<64x601xf32, #tpu.memory_space<vmem>>[vector<16xi32>, vector<16xi32>], vector<16xf32>,
      %add3A_891 = arith.constant 1 : i32
      %add3A_892 = vector.broadcast %add3A_891 : i32 to vector<16xi32>
      %add3A_893 = arith.addi %min3A_876, %add3A_892 : vector<16xi32>
      tpu.vector_store_idx %arg9[%add3A_890, %add3A_893], %sub3A_887 : memref<64x601xf32, #tpu.memory_space<vmem>>[vector<16xi32>, vector<16xi32>], vector<16xf32>,
      %swap3A_894 = arith.constant 96 : index
      %swap3A_895 = tpu.vector_load %arg10[%swap3A_894] {strides = array<i32>} : memref<128xi32, #tpu.memory_space<vmem>>, vector<16xi32>,
      tpu.vector_store %arg10[%swap3A_894], %min3A_876 {strides = array<i32>} : memref<128xi32, #tpu.memory_space<vmem>>, vector<16xi32>,
      %mul3A_896 = arith.constant 64 : i32
      %mul3A_897 = arith.muli %add3A_525, %mul3A_896 : i32
      %add3A_898 = arith.constant 48 : i32
      %add3A_899 = arith.addi %mul3A_897, %add3A_898 : i32
      %get3A_900 = arith.index_cast %add3A_899 : i32 to index
      %get3A_901 = tpu.vector_load %arg6[%get3A_900] {strides = array<i32>} : memref<2048xf32, #tpu.memory_space<vmem>>, vector<16xf32>,
      %jit3A_902 = arith.constant -58705.5859 : f32
      %jit3A_903 = arith.constant 58705.5859 : f32
      %max3A_904 = vector.broadcast %jit3A_902 : f32 to vector<16xf32>
      %max3A_905 = arith.maximumf %max3A_904, %get3A_901 : vector<16xf32>
      %min3A_906 = vector.broadcast %jit3A_903 : f32 to vector<16xf32>
      %min3A_907 = arith.minimumf %min3A_906, %max3A_905 : vector<16xf32>
      %abs3A_908 = math.absf %min3A_907 : vector<16xf32>
      %sign3A_909 = tpu.bitcast %min3A_907 : vector<16xf32> -> vector<16xi32>
      %sign3A_910 = arith.constant -2147483648 : i32
      %sign3A_911 = vector.broadcast %sign3A_910 : i32 to vector<16xi32>
      %sign3A_912 = arith.andi %sign3A_909, %sign3A_911 : vector<16xi32>
      %sign3A_913 = arith.constant 1065353216 : i32
      %sign3A_914 = vector.broadcast %sign3A_913 : i32 to vector<16xi32>
      %sign3A_915 = arith.ori %sign3A_914, %sign3A_912 : vector<16xi32>
      %sign3A_916 = tpu.bitcast %sign3A_915 : vector<16xi32> -> vector<16xf32>
      %sign3A_917 = math.absf %min3A_907 : vector<16xf32>
      %sign3A_918 = arith.constant 0.000000e+00 : f32
      %sign3A_919 = vector.broadcast %sign3A_918 : f32 to vector<16xf32>
      %sign3A_920 = arith.cmpf ogt, %sign3A_917, %sign3A_919 : vector<16xf32>
      %sign3A_921 = arith.select %sign3A_920, %sign3A_916, %min3A_907 : vector<16xi1>, vector<16xf32>
      %add3A_922 = arith.constant 1.000000e+00 : f32
      %add3A_923 = vector.broadcast %add3A_922 : f32 to vector<16xf32>
      %add3A_924 = arith.addf %abs3A_908, %add3A_923 : vector<16xf32>
      %bitcast_convert_type3A_925 = tpu.bitcast %add3A_924 : vector<16xf32> -> vector<16xi32>
      %shift_right_arithmetic3A_926 = arith.constant 1 : i32
      %shift_right_arithmetic3A_927 = vector.broadcast %shift_right_arithmetic3A_926 : i32 to vector<16xi32>
      %shift_right_arithmetic3A_928 = arith.shrsi %bitcast_convert_type3A_925, %shift_right_arithmetic3A_927 : vector<16xi32>
      %add3A_929 = arith.constant 532487669 : i32
      %add3A_930 = vector.broadcast %add3A_929 : i32 to vector<16xi32>
      %add3A_931 = arith.addi %shift_right_arithmetic3A_928, %add3A_930 : vector<16xi32>
      %bitcast_convert_type3A_932 = tpu.bitcast %add3A_931 : vector<16xi32> -> vector<16xf32>
      %div3A_933 = arith.divf %add3A_924, %bitcast_convert_type3A_932 : vector<16xf32>
      %add3A_934 = arith.addf %bitcast_convert_type3A_932, %div3A_933 : vector<16xf32>
      %mul3A_935 = arith.constant 5.000000e-01 : f32
      %mul3A_936 = vector.broadcast %mul3A_935 : f32 to vector<16xf32>
      %mul3A_937 = arith.mulf %mul3A_936, %add3A_934 : vector<16xf32>
      %div3A_938 = arith.divf %add3A_924, %mul3A_937 : vector<16xf32>
      %add3A_939 = arith.addf %mul3A_937, %div3A_938 : vector<16xf32>
      %mul3A_940 = arith.constant 5.000000e-01 : f32
      %mul3A_941 = vector.broadcast %mul3A_940 : f32 to vector<16xf32>
      %mul3A_942 = arith.mulf %mul3A_941, %add3A_939 : vector<16xf32>
      %div3A_943 = arith.divf %add3A_924, %mul3A_942 : vector<16xf32>
      %add3A_944 = arith.addf %mul3A_942, %div3A_943 : vector<16xf32>
      %mul3A_945 = arith.constant 5.000000e-01 : f32
      %mul3A_946 = vector.broadcast %mul3A_945 : f32 to vector<16xf32>
      %mul3A_947 = arith.mulf %mul3A_946, %add3A_944 : vector<16xf32>
      %sub3A_948 = arith.constant 1.000000e+00 : f32
      %sub3A_949 = vector.broadcast %sub3A_948 : f32 to vector<16xf32>
      %sub3A_950 = arith.subf %mul3A_947, %sub3A_949 : vector<16xf32>
      %mul3A_951 = arith.constant 1.000000e-03 : f32
      %mul3A_952 = vector.broadcast %mul3A_951 : f32 to vector<16xf32>
      %mul3A_953 = arith.mulf %mul3A_952, %abs3A_908 : vector<16xf32>
      %add3A_954 = arith.addf %sub3A_950, %mul3A_953 : vector<16xf32>
      %mul3A_955 = arith.mulf %sign3A_921, %add3A_954 : vector<16xf32>
      %add3A_956 = arith.constant 3.000000e+02 : f32
      %add3A_957 = vector.broadcast %add3A_956 : f32 to vector<16xf32>
      %add3A_958 = arith.addf %mul3A_955, %add3A_957 : vector<16xf32>
      %convert_element_type3A_959 = arith.fptosi %add3A_958 : vector<16xf32> to vector<16xi32>
      %jit3A_960 = arith.constant 0 : i32
      %jit3A_961 = arith.constant 599 : i32
      %max3A_962 = vector.broadcast %jit3A_960 : i32 to vector<16xi32>
      %max3A_963 = arith.maxsi %max3A_962, %convert_element_type3A_959 : vector<16xi32>
      %min3A_964 = vector.broadcast %jit3A_961 : i32 to vector<16xi32>
      %min3A_965 = arith.minsi %min3A_964, %max3A_963 : vector<16xi32>
      %gather3A_966 = tpu.vector_load_idx %arg7[%min3A_965] : memref<601xf32, #tpu.memory_space<vmem>>[vector<16xi32>], vector<16xf32>,
      %add3A_967 = arith.constant 1 : i32
      %add3A_968 = vector.broadcast %add3A_967 : i32 to vector<16xi32>
      %add3A_969 = arith.addi %min3A_965, %add3A_968 : vector<16xi32>
      %gather3A_970 = tpu.vector_load_idx %arg7[%add3A_969] : memref<601xf32, #tpu.memory_space<vmem>>[vector<16xi32>], vector<16xf32>,
      %lt3A_971 = arith.cmpf olt, %gather3A_970, %min3A_907 : vector<16xf32>
      %add3A_972 = arith.constant 1 : i32
      %add3A_973 = vector.broadcast %add3A_972 : i32 to vector<16xi32>
      %add3A_974 = arith.addi %min3A_965, %add3A_973 : vector<16xi32>
      %le3A_975 = arith.cmpf ole, %min3A_907, %gather3A_966 : vector<16xf32>
      %sub3A_976 = arith.constant 1 : i32
      %sub3A_977 = vector.broadcast %sub3A_976 : i32 to vector<16xi32>
      %sub3A_978 = arith.subi %min3A_965, %sub3A_977 : vector<16xi32>
      %select_n3A_979 = arith.select %le3A_975, %sub3A_978, %min3A_965 : vector<16xi1>, vector<16xi32>
      %select_n3A_980 = arith.select %lt3A_971, %add3A_974, %select_n3A_979 : vector<16xi1>, vector<16xi32>
      %jit3A_981 = arith.constant 0 : i32
      %jit3A_982 = arith.constant 599 : i32
      %max3A_983 = vector.broadcast %jit3A_981 : i32 to vector<16xi32>
      %max3A_984 = arith.maxsi %max3A_983, %select_n3A_980 : vector<16xi32>
      %min3A_985 = vector.broadcast %jit3A_982 : i32 to vector<16xi32>
      %min3A_986 = arith.minsi %min3A_985, %max3A_984 : vector<16xi32>
      %gather3A_987 = tpu.vector_load_idx %arg7[%min3A_986] : memref<601xf32, #tpu.memory_space<vmem>>[vector<16xi32>], vector<16xf32>,
      %add3A_988 = arith.constant 1 : i32
      %add3A_989 = vector.broadcast %add3A_988 : i32 to vector<16xi32>
      %add3A_990 = arith.addi %min3A_986, %add3A_989 : vector<16xi32>
      %gather3A_991 = tpu.vector_load_idx %arg7[%add3A_990] : memref<601xf32, #tpu.memory_space<vmem>>[vector<16xi32>], vector<16xf32>,
      %sub3A_992 = arith.subf %gather3A_991, %min3A_907 : vector<16xf32>
      %sub3A_993 = arith.subf %gather3A_991, %gather3A_987 : vector<16xf32>
      %div3A_994 = arith.divf %sub3A_992, %sub3A_993 : vector<16xf32>
      %sub3A_995 = arith.constant 1.000000e+00 : f32
      %sub3A_996 = vector.broadcast %sub3A_995 : f32 to vector<16xf32>
      %sub3A_997 = arith.subf %sub3A_996, %div3A_994 : vector<16xf32>
      %add3A_998 = arith.constant 48 : i32
      %add3A_999 = vector.broadcast %add3A_998 : i32 to vector<16xi32>
      %add3A_1000 = arith.addi %iota3A, %add3A_999 : vector<16xi32>
      tpu.vector_store_idx %arg9[%add3A_1000, %min3A_986], %div3A_994 : memref<64x601xf32, #tpu.memory_space<vmem>>[vector<16xi32>, vector<16xi32>], vector<16xf32>,
      %add3A_1001 = arith.constant 1 : i32
      %add3A_1002 = vector.broadcast %add3A_1001 : i32 to vector<16xi32>
      %add3A_1003 = arith.addi %min3A_986, %add3A_1002 : vector<16xi32>
      tpu.vector_store_idx %arg9[%add3A_1000, %add3A_1003], %sub3A_997 : memref<64x601xf32, #tpu.memory_space<vmem>>[vector<16xi32>, vector<16xi32>], vector<16xf32>,
      %swap3A_1004 = arith.constant 112 : index
      %swap3A_1005 = tpu.vector_load %arg10[%swap3A_1004] {strides = array<i32>} : memref<128xi32, #tpu.memory_space<vmem>>, vector<16xi32>,
      tpu.vector_store %arg10[%swap3A_1004], %min3A_986 {strides = array<i32>} : memref<128xi32, #tpu.memory_space<vmem>>, vector<16xi32>,
      %dma_start3A_1006 = arith.constant 0 : i32
      %dma_start3A_1007 = tpu.memref_slice %arg5[%add3A_528, %dma_start3A_1006] : memref<65536x601xf32, #tpu.memory_space<hbm>> -> memref<64x601xf32, #tpu.memory_space<hbm>>
      %dma_start3A_1008 = arith.constant 0 : i32
      %dma_start3A_1009 = tpu.memref_slice %arg5[%add3A_528, %dma_start3A_1008] : memref<65536x601xf32, #tpu.memory_space<hbm>> -> memref<64x601xf32, #tpu.memory_space<hbm>>
      tpu.enqueue_dma source(%arg9 : memref<64x601xf32, #tpu.memory_space<vmem>>) target(%dma_start3A_1009 : memref<64x601xf32, #tpu.memory_space<hbm>>) target_semaphore(%arg12 : memref<!tpu.dma_semaphore, #tpu.memory_space<semaphore_mem>>)
    }
    %scan3A_39 = arith.constant 16 : i32
    %add3A_40 = arith.constant 1920 : i32
    %add3A_41 = arith.addi %mul3A_2, %add3A_40 : i32
    %dma_wait3A = arith.constant 0 : i32
    %dma_wait3A_42 = tpu.memref_slice %arg5[%add3A_41, %dma_wait3A] : memref<65536x601xf32, #tpu.memory_space<hbm>> -> memref<64x601xf32, #tpu.memory_space<hbm>>
    %dma_wait3A_43 = arith.constant 0 : i32
    %dma_wait3A_44 = tpu.memref_slice %arg5[%add3A_41, %dma_wait3A_43] : memref<65536x601xf32, #tpu.memory_space<hbm>> -> memref<64x601xf32, #tpu.memory_space<hbm>>
    tpu.wait_dma2 semaphore(%arg11 : memref<!tpu.dma_semaphore, #tpu.memory_space<semaphore_mem>>) src(%arg8 : memref<64x601xf32, #tpu.memory_space<vmem>>) dst(%dma_wait3A_44 : memref<64x601xf32, #tpu.memory_space<hbm>>)
    %add3A_45 = arith.constant 1984 : i32
    %add3A_46 = arith.addi %mul3A_2, %add3A_45 : i32
    %dma_wait3A_47 = arith.constant 0 : i32
    %dma_wait3A_48 = tpu.memref_slice %arg5[%add3A_46, %dma_wait3A_47] : memref<65536x601xf32, #tpu.memory_space<hbm>> -> memref<64x601xf32, #tpu.memory_space<hbm>>
    %dma_wait3A_49 = arith.constant 0 : i32
    %dma_wait3A_50 = tpu.memref_slice %arg5[%add3A_46, %dma_wait3A_49] : memref<65536x601xf32, #tpu.memory_space<hbm>> -> memref<64x601xf32, #tpu.memory_space<hbm>>
    tpu.wait_dma2 semaphore(%arg12 : memref<!tpu.dma_semaphore, #tpu.memory_space<semaphore_mem>>) src(%arg9 : memref<64x601xf32, #tpu.memory_space<vmem>>) dst(%dma_wait3A_50 : memref<64x601xf32, #tpu.memory_space<hbm>>)
    return
  }
}

</mosaic_0001>

<sc_bundles>
// kernel: _sc_twohot.3.cloned.1.call-start
scs
__scs_entry_jumppad:
0x0: {  	(pc) =	sbr.rel $0x88, $3  }
0x1: {  	(tag) =	ssettag $0x0;
	lr =	simm.s32 $0x1  }
0x2: {  	[smem:$0x3F9E] =	sst lr;
	_ =	strace $0xD0000000  }
0x3: {  	_ = 	snop  }
0x4: {  	_ = 	snop  }
0x5: {  	_ = 	snop  }
0x6: {  	_ = 	snop  }
0x7: {  	_ = 	snop  }
__scs_overlays_trampoline_lowered:
0x8: {  	[smem:$0x3FAD] =	sst s0  }
0x9: {  	[smem:$0x3FAE] =	sst s1  }
0xa: {  	[smem:$0x3FAF] =	sst s2  }
0xb: {  	[smem:$0x3FB0] =	sst s3  }
0xc: {  	[smem:$0x3FB1] =	sst s4  }
0xd: {  	[smem:$0x3FB2] =	sst s5  }
0xe: {  	[smem:$0x3FB3] =	sst s6  }
0xf: {  	[smem:$0x3FB4] =	sst s7  }
0x10: {  	[smem:$0x3FB5] =	sst s8  }
0x11: {  	[smem:$0x3FB6] =	sst s9;
	s0 =	simm.s32 @!p0 $0x0  }
0x12: {  	s1 =	sld [smem:$0x3F9C];
	s0 =	simm.s32 @p0 $0x1  }
0x13: {  	[smem:$0x3FB7] =	sst s0;
	s0 =	simm.s32 @!p1 $0x0  }
0x14: {  	s2 =	sld [smem:$0x3F9B];
	s0 =	simm.s32 @p1 $0x1  }
0x15: {  	[smem:$0x3FB8] =	sst s0;
	s0 =	simm.s32 @!p2 $0x0  }
0x16: {  	s3 =	sld [smem:$0x3FDB];
	s0 =	simm.s32 @p2 $0x1  }
0x17: {  	s4 =	simm.s32 $0x1BF5;
	[smem:$0x3FBA] =	sst s0  }
0x18: {  	s0 =	sld [smem:$0x3F9D];
	_ =	swait.ge [sflag:s4], $0x0  }
0x19: {  	s7 =	sld [smem:$0x3F9E]  }
0x1a: {  	s8 =	sadd.s32 $0xFFFFE003, lr  }
0x1b: {  	s9 =	sadd.s32 $0xFFFFFEF7, lr;
	s5 =	simm.s32 $0xFFFFFFFF;
	p2 =	slt.u32 s8, $0xFFFFF086  }
0x1c: {  	p1 =	slt.u32 s9, $0xF7A;
	s5 =	simm.s32 @!p2 $0x0  }
0x1d: {  	s5 =	simm.s32 @p1 $0x1;
	p0 =	seq.s32 s7, s2  }
0x1e: {  	s7 =	smul.u32 @!p0 $0xF7A, s2;
	p2 =	seq.s32 @!p0 s5, $0x0  }
0x1f: {  	s9 =	smul.u32 $0xF7A, s1;
	s8 =	simm.s32 @!p0 $0x1BF5;
	p2 =	por !p2, p0  }
0x20: {  	[sflag:s8] =	ssyncset.s32 @!p0 $0xFFFFF086;
	s6 =	sadd.s32 @!p0 s3, s7;
	s7 =	simm.s32 @!p0 $0x108  }
0x21: {  	s3 =	sadd.s32 s3, s9;
	s6 =	sadd.s32 @!p0 $0x88, s6;
	s7 =	simm.s32 @p2 $0x1082  }
0x22: {  	[simem:s7], [sflag:s8] =	dma.local @!p0 [hbm:s6], $0xF7A  }
0x23: {  	s9 =	sor.u32 $0xD0000000, s2;
	s6 =	simm.s32 $0x108;
	_ =	swait.ge @!p0 [sflag:s8], $0x0  }
0x24: {  	s3 =	sadd.s32 $0x88, s3;
	s6 =	simm.s32 @!p1 $0x1082;
	[sflag:s4] =	ssyncset.s32 $0xFFFFF086  }
0x25: {  	[simem:s6], [sflag:s4] =	dma.local [hbm:s3], $0xF7A  }
0x26: {  	[smem:$0x3F9E] =	sst s1;
	(tag) =	ssettag s2;
	_ =	strace s9  }
0x27: {  	s1 =	sld [smem:$0x3FAE]  }
0x28: {  	s2 =	sld [smem:$0x3FAF]  }
0x29: {  	s4 =	sld [smem:$0x3FB1]  }
0x2a: {  	p0 =	seq.s32 s5, $0x0;
	s5 =	sld [smem:$0x3FB2]  }
0x2b: {  	s6 =	sld [smem:$0x3FB3]  }
0x2c: {  	s7 =	sld [smem:$0x3FB4]  }
0x2d: {  	s3 =	simm.s32 $0x108;
	s8 =	sld [smem:$0x3FB5]  }
0x2e: {  	s3 =	simm.s32 @!p0 $0x1082;
	s9 =	sld [smem:$0x3FB6]  }
0x2f: {  	lr =	sadd.s32 s0, s3;
	s0 =	sld [smem:$0x3FAD]  }
0x30: {  	s3 =	sld [smem:$0x3FB0]  }
0x31: {  	[smem:$0x3FB9] =	sst s10  }
0x32: {  	s10 =	sld [smem:$0x3FB7];
	_ =	sdelay $0x3  }
0x33: {  	p0 =	seq.s32 s10, $0x1;
	s10 =	sld [smem:$0x3FB9];
	_ =	sdelay $0x3  }
0x34: {  	[smem:$0x3FB9] =	sst s10  }
0x35: {  	s10 =	sld [smem:$0x3FB8];
	_ =	sdelay $0x3  }
0x36: {  	p1 =	seq.s32 s10, $0x1;
	s10 =	sld [smem:$0x3FB9];
	_ =	sdelay $0x3  }
0x37: {  	[smem:$0x3FB9] =	sst s10  }
0x38: {  	s10 =	sld [smem:$0x3FBA]  }
0x39: {  	_ = 	snop;
	(pc) =	sbr.ind lr, $3  }
0x3a: {  	_ = 	snop  }
0x3b: {  	_ = 	snop  }
0x3c: {  	p2 =	seq.s32 s10, $0x1;
	s10 =	sld [smem:$0x3FB9]  }
0x3d: {  	_ =	shalt  }
0x3e: {  	_ =	shalt  }
0x3f: {  	_ =	shalt  }
0x40: {  	_ =	shalt  }
0x41: {  	_ =	shalt  }
0x42: {  	_ =	shalt  }
0x43: {  	_ =	shalt  }
0x44: {  	_ =	shalt  }
0x45: {  	_ =	shalt  }
0x46: {  	_ =	shalt  }
0x47: {  	_ =	shalt  }
0x48: {  	_ =	shalt  }
0x49: {  	_ =	shalt  }
0x4a: {  	_ =	shalt  }
0x4b: {  	_ =	shalt  }
0x4c: {  	_ =	shalt  }
0x4d: {  	_ =	shalt  }
0x4e: {  	_ =	shalt  }
0x4f: {  	_ =	shalt  }
0x50: {  	_ =	shalt  }
0x51: {  	_ =	shalt  }
0x52: {  	_ =	shalt  }
0x53: {  	_ =	shalt  }
0x54: {  	_ =	shalt  }
0x55: {  	_ =	shalt  }
0x56: {  	_ =	shalt  }
0x57: {  	_ =	shalt  }
0x58: {  	_ =	shalt  }
0x59: {  	_ =	shalt  }
0x5a: {  	_ =	shalt  }
0x5b: {  	_ =	shalt  }
0x5c: {  	_ =	shalt  }
0x5d: {  	_ =	shalt  }
0x5e: {  	_ =	shalt  }
0x5f: {  	_ =	shalt  }
0x60: {  	_ =	shalt  }
0x61: {  	_ =	shalt  }
0x62: {  	_ =	shalt  }
0x63: {  	_ =	shalt  }
0x64: {  	_ =	shalt  }
0x65: {  	_ =	shalt  }
0x66: {  	_ =	shalt  }
0x67: {  	_ =	shalt  }
0x68: {  	_ =	shalt  }
0x69: {  	_ =	shalt  }
0x6a: {  	_ =	shalt  }
0x6b: {  	_ =	shalt  }
0x6c: {  	_ =	shalt  }
0x6d: {  	_ =	shalt  }
0x6e: {  	_ =	shalt  }
0x6f: {  	_ =	shalt  }
0x70: {  	_ =	shalt  }
0x71: {  	_ =	shalt  }
0x72: {  	_ =	shalt  }
0x73: {  	_ =	shalt  }
0x74: {  	_ =	shalt  }
0x75: {  	_ =	shalt  }
0x76: {  	_ =	shalt  }
0x77: {  	_ =	shalt  }
0x78: {  	_ =	shalt  }
0x79: {  	_ =	shalt  }
0x7a: {  	_ =	shalt  }
0x7b: {  	_ =	shalt  }
0x7c: {  	_ =	shalt  }
0x7d: {  	_ =	shalt  }
0x7e: {  	_ =	shalt  }
0x7f: {  	_ =	shalt  }
0x80: {  	_ =	shalt  }
0x81: {  	_ =	shalt  }
0x82: {  	_ =	shalt  }
0x83: {  	_ =	shalt  }
0x84: {  	_ =	shalt  }
0x85: {  	_ =	shalt  }
0x86: {  	_ =	shalt  }
0x87: {  	_ =	shalt  }
.Lfunc_end0:
.L_simem_size_0:
called_computation_lowered:
.L_overlay_start_0:
0x88: {  	s2 =	sld [smem:$0x3FD9]  }
0x89: {  	s3 =	sld [smem:$0x3FFE];
	_ =	sdelay $0x1  }
0x8a: {  	s1 =	srdreg.scid  }
0x8b: {  	s0 =	sand.u32 $0x1, s1  }
0x8c: {  	s17 =	sshll.u32 s0, $0xA;
	s2 =	sadd.s32 s3, s2  }
0x8d: {  	s2 =	sadd.s32 s2, s17  }
0x8e: {  	[smem:$0x3FC5] =	sst s2  }
0x8f: {  	_ = 	snop  }
0x90: {  	s2 =	sld [smem:$0x3FC9]  }
0x91: {  	s18 =	sld [smem:$0x3FC8]  }
0x92: {  	s4 =	sld [smem:$0x3FC7];
	(tm) =	ssettm $0x1  }
0x93: {  	s5 =	sld [smem:$0x3FFB];
	_ =	sdelay $0x3  }
0x94: {  	_ =	strace s5  }
0x95: {  	s5 =	sld [smem:$0x3FFC];
	_ =	sdelay $0x3  }
0x96: {  	_ =	strace s5  }
0x97: {  	s5 =	sld [smem:$0x3FFD];
	_ =	sdelay $0x3  }
0x98: {  	_ =	strace s5  }
0x99: {  	_ =	strace $0x8FFFFFFF  }
0x9a: {  	s19 =	sld [smem:$0x3FDB];
	_ =	sdelay $0x1  }
0x9b: {  	s6 =	simm.s32 $_scs_section_size  }
0x9c: {  	s7 =	simm.s32 $_size__tile_overlayer_lowered;
	s8 =	simm.s32 $_tile_overlayer_lowered  }
0x9d: {  	s22 =	simm.s32 $0x1BFF;
	s21 =	sshll.u32 s8, $0x1;
	s5 =	sadd.s32 s6, s19  }
0x9e: {  	s9 =	simm.s32 $0x0;
	s20 =	sshll.u32 s7, $0x1;
	s7 =	sadd.s32 s21, s5  }
0x9f: {  	[timem:s9], [sflag:s22] =	dma.local [hbm:s7], s20  }
0xa0: {  	_ =	swait.ge [sflag:s22], s20  }
0xa1: {  	s6 =	ssub.s32 $0x0, s20;
	[sflag:s22] =	ssyncset.done $0x0  }
0xa2: {  	[sflag:s22] =	ssyncadd.s32 s6;
	_ =	sdelay $0x1  }
0xa3: {  	s23 =	simm.s32 $0x1B8B  }
0xa4: {  	_ =	swait.ge [sflag:s23], $0x1  }
0xa5: {  	[sflag:s23] =	ssyncset.done $0x0  }
0xa6: {  	s25 =	simm.s32 $0x1B8E;
	s24 =	sld [smem:$0x3FFE];
	[sflag:s23] =	ssyncadd.s32 $0xFFFFFFFF  }
0xa7: {  	s26 =	simm.s32 $execute0_lowered;
	[smem:$0x3FD2] =	sst s25  }
0xa8: {  	s7 =	sshll.u32 s26, $0x1;
	_ =	strace $0x80000046;
	[dreg:$0x1] =	wrdreg $0xFFFFFFFF  }
0xa9: {  	s28 =	simm.s32 $_size_execute0_lowered;
	s5 =	sadd.s32 s5, s7;
	[dreg:$0x0] =	wrdreg $0x0  }
0xaa: {  	s7 =	sshll.u32 s28, $0x1;
	[dreg:$0x2] =	wrdreg s5  }
0xab: {  	[dreg:$0x3] =	wrdreg s7  }
0xac: {  	[dreg:$0x4] =	wrdreg $0xC0  }
0xad: {  	_ =	task [dreg:s9], $0x5FFFF  }
0xae: {  	[dreg:$0x1] =	wrdreg $0xFFFFFFFF  }
0xaf: {  	[dreg:$0x0] =	wrdreg $0x60  }
0xb0: {  	[dreg:$0x2] =	wrdreg s2  }
0xb1: {  	[dreg:$0x3] =	wrdreg s18  }
0xb2: {  	[dreg:$0x4] =	wrdreg s4  }
0xb3: {  	[dreg:$0x5] =	wrdreg s24  }
0xb4: {  	[dreg:$0x6] =	wrdreg $0x9  }
0xb5: {  	_ =	task.clear_ibuf [dreg:s9], $0x7FFFF;
	_ =	strace $0x90000046  }
0xb6: {  	s29 =	simm.s32 $0x9;
	_ =	strace $0x80000048  }
0xb7: {  	_ =	swait.ge [sflag:s29], $0x1  }
0xb8: {  	[sflag:s29] =	ssyncadd.s32 $0xFFFFFFFF  }
0xb9: {  	_ =	strace $0x90000048  }
0xba: {  	_ =	sfence  }
0xbb: {  	s30 =	sld [smem:$0x0];
	_ =	sdelay $0x2  }
0xbc: {  	s31 =	sshll.u32 s1, $0xD;
	s1 =	sshrl.u32 s1, $0x2  }
0xbd: {  	s3 =	sand.u32 $0x4000, s31;
	s1 =	sadd.s32 s1, s30  }
0xbe: {  	s0 =	sor.u32 s3, s0;
	s1 =	sshll.u32 s1, $0x11  }
0xbf: {  	s0 =	sor.u32 s1, s0  }
0xc0: {  	s0 =	sadd.s32 $0x8F2B, s0  }
0xc1: {  	[sflag:s0] =	ssyncadd.remote.s32 $0x1  }
0xc2: {  	_ =	sfence.sel $0xFFFF  }
0xc3: {  	[dreg:$0x0] =	wrdreg $0xFFFFFFFF;
	(pc) =	sbr.abs _section_cstart, $3  }
0xc4: {  	[dreg:$0x1] =	wrdreg $0xFFFFFFFF  }
0xc5: {  	_ =	task.clear_ibuf [dreg:s9], $0x2FFFF;
	_ =	strace $0x9FFFFFFF  }
0xc6: {  	(tm) =	ssettm $0x7FFFFFFF  }
0xc7: {  	_ =	shalt  }
tec
execute0_lowered:
.L_overlay_start_1:
0x0: {  	(tag) =	ssettag $0x1  }
0x1: {  	v0 =	vimm.s32 $0x1780;
	vm14 =	vcmask $0x300  }
0x2: {  	vm13 =	vcmask $0x704;
	vm12 =	vcmask $0xB08;
	vm11 =	vcmask $0xF0C  }
0x3: {  	vm10 =	vcmask $0x1310;
	vm9 =	vcmask $0x1714;
	vm8 =	vcmask $0x1B18  }
0x4: {  	vm7 =	vcmask $0x1F1C;
	vm6 =	vcmask $0x2320;
	vm5 =	vcmask $0x2724  }
0x5: {  	vm4 =	vcmask $0x2B28;
	vm3 =	vcmask $0x2F2C;
	vm2 =	vcmask $0x3330  }
0x6: {  	vm1 =	vcmask $0x3734;
	vm0 =	vcmask $0x3B38;
	v3 =	vimm.s32 $0x3F80  }
0x7: {  	v2 =	vimm.f32 $0.0e+00;
	v4 =	vimm.s32 $0x6780;
	v5 =	vimm.s32 $0x8F80  }
0x8: {  	v6 =	vimm.f32 $1.000000000e+00;
	v0 =	vsel vm14, $0x0, v0;
	v3 =	vsel vm14, $0x2800, v3  }
0x9: {  	v4 =	vsel vm14, $0x5000, v4;
	v5 =	vsel vm14, $0x7800, v5;
	v6 =	vand.u32 $0x7FFFFFFF, v6  }
0xa: {  	v0 =	vsel vm13, $0x80, v0;
	v3 =	vsel vm13, $0x2880, v3;
	v4 =	vsel vm13, $0x5080, v4  }
0xb: {  	v5 =	vsel vm13, $0x7880, v5;
	v0 =	vsel vm12, $0x100, v0;
	v3 =	vsel vm12, $0x2900, v3  }
0xc: {  	v4 =	vsel vm12, $0x5100, v4;
	v5 =	vsel vm12, $0x7900, v5;
	v0 =	vsel vm11, $0x180, v0  }
0xd: {  	v3 =	vsel vm11, $0x2980, v3;
	v4 =	vsel vm11, $0x5180, v4;
	v5 =	vsel vm11, $0x7980, v5  }
0xe: {  	v0 =	vsel vm10, $0x200, v0;
	v3 =	vsel vm10, $0x2A00, v3;
	v4 =	vsel vm10, $0x5200, v4  }
0xf: {  	v5 =	vsel vm10, $0x7A00, v5;
	v0 =	vsel vm9, $0x280, v0;
	v3 =	vsel vm9, $0x2A80, v3  }
0x10: {  	v4 =	vsel vm9, $0x5280, v4;
	v5 =	vsel vm9, $0x7A80, v5;
	v0 =	vsel vm8, $0x300, v0  }
0x11: {  	v3 =	vsel vm8, $0x2B00, v3;
	v4 =	vsel vm8, $0x5300, v4;
	v5 =	vsel vm8, $0x7B00, v5  }
0x12: {  	s5 =	rddreg [dreg:$0x0];
	v0 =	vsel vm7, $0x380, v0;
	v3 =	vsel vm7, $0x2B80, v3;
	v4 =	vsel vm7, $0x5380, v4  }
0x13: {  	s2 =	srdreg.scid;
	s1 =	rddreg [dreg:$0x1];
	v5 =	vsel vm7, $0x7B80, v5;
	v0 =	vsel vm6, $0x1400, v0;
	v3 =	vsel vm6, $0x3C00, v3  }
0x14: {  	s0 =	stileid.u32;
	s7 =	rddreg [dreg:$0x3];
	s11 =	simm.s32 $0xAA80;
	v4 =	vsel vm6, $0x6400, v4;
	v5 =	vsel vm6, $0x8C00, v5;
	v0 =	vsel vm5, $0x1480, v0  }
0x15: {  	s12 =	simm.s32 $0x1;
	s13 =	simm.s32 $0x2;
	s6 =	sand.u32 $0x1, s2;
	v3 =	vsel vm5, $0x3C80, v3;
	v4 =	vsel vm5, $0x6480, v4;
	v5 =	vsel vm5, $0x8C80, v5  }
0x16: {  	s14 =	simm.s32 $0x0;
	s3 =	sshll.u32 s0, $0xC;
	s4 =	sshll.u32 s6, $0xB;
	v0 =	vsel vm4, $0x1500, v0;
	v3 =	vsel vm4, $0x3D00, v3;
	v4 =	vsel vm4, $0x6500, v4  }
0x17: {  	s2 =	rddreg [dreg:$0x2];
	s6 =	ssub.s32 $0x2, s6;
	s8 =	sor.u32 s4, s3;
	v5 =	vsel vm4, $0x8D00, v5;
	v1 =	vsel vm3, $0x1580, v0;
	v0 =	vimm.s32 $0x0  }
0x18: {  	s3 =	rddreg [dreg:$0x4];
	s4 =	simm.s32 $0x0;
	s8 =	sshrl.u32 s8, $0x3;
	v3 =	vsel vm3, $0x3D80, v3;
	v4 =	vsel vm3, $0x6580, v4;
	v5 =	vsel vm3, $0x8D80, v5  }
0x19: {  	s10 =	sshrl.u32 s6, $0x1;
	[smem:$0x7FF] =	sst s4;
	s9 =	smul.u32 $0x280, s8;
	v1 =	vsel vm2, $0x1600, v1;
	v3 =	vsel vm2, $0x3E00, v3;
	v4 =	vsel vm2, $0x6600, v4  }
0x1a: {  	s6 =	ssub.s32 s6, s10;
	s10 =	simm.s32 $0xA80;
	_ =	strace $0x80000047;
	v5 =	vsel vm2, $0x8E00, v5;
	v1 =	vsel vm1, $0x1680, v1;
	v3 =	vsel vm1, $0x3E80, v3  }
0x1b: {  	s5 =	sadd.s32 s5, s8;
	s6 =	smax.u32 s6, $0x1;
	s7 =	sadd.s32 s9, s7;
	v4 =	vsel vm1, $0x6680, v4;
	v5 =	vsel vm1, $0x8E80, v5;
	v1 =	vsel vm0, $0x1700, v1  }
0x1c: {  	s8 =	simm.s32 $0x3;
	s9 =	simm.s32 $0x800;
	s7 =	sadd.s32 $0x400, s7;
	v3 =	vsel vm0, $0x3F00, v3;
	v4 =	vsel vm0, $0x6700, v4;
	v5 =	vsel vm0, $0x8F00, v5  }
.LBB2_1:
0x1d: {  	[tilespmem:s4], [sflag:$0x3] =	stream.linear.gather [hbm4b:s5+s4], $0x800, $0x38;
	[tilespmem:$0x14B00] =	vst v63  }
0x1e: {  	_ =	swait.ge [sflag:s8], $0x800  }
0x1f: {  	[sflag:s8] =	ssyncset.done $0x0  }
0x20: {  	[sflag:s8] =	ssyncadd.s32 $0xFFFFF800  }
0x21: {  	[tilespmem:s9], [sflag:$0x3] =	stream.linear.gather [hbm4b:s1+s4], $0x280, $0x38;
	[tilespmem:$0x14B00] =	vst v63  }
0x22: {  	_ =	swait.ge [sflag:s8], $0x280  }
0x23: {  	[sflag:s8] =	ssyncset.done $0x0  }
0x24: {  	[sflag:s8] =	ssyncadd.s32 $0xFFFFFD80  }
0x25: {  	[tilespmem:s10], [sflag:$0x3] =	stream.linear.gather [hbm4b:s2+s4], $0xA000, $0x38;
	[tilespmem:$0x14B00] =	vst v63  }
0x26: {  	_ =	swait.ge [sflag:s8], $0xA000  }
0x27: {  	[sflag:s8] =	ssyncset.done $0x0  }
0x28: {  	[sflag:s8] =	ssyncadd.s32 $0xFFFF6000  }
0x29: {  	[tilespmem:s11], [sflag:$0x3] =	stream.linear.gather [hbm4b:s2+s4], $0xA000, $0x38;
	[tilespmem:$0x14B00] =	vst v63  }
0x2a: {  	_ =	swait.ge [sflag:s8], $0xA000  }
0x2b: {  	[sflag:s8] =	ssyncset.done $0x0  }
0x2c: {  	[sflag:s8] =	ssyncadd.s32 $0xFFFF6000  }
0x2d: {  	[tilespmem:$0x14A80] =	vst v0  }
0x2e: {  	[tilespmem:$0x14A90] =	vst v0  }
0x2f: {  	[tilespmem:$0x14AA0] =	vst v0  }
0x30: {  	[tilespmem:$0x14AB0] =	vst v0  }
0x31: {  	[tilespmem:$0x14AC0] =	vst v0  }
0x32: {  	[tilespmem:$0x14AD0] =	vst v0  }
0x33: {  	[tilespmem:$0x14AE0] =	vst v0  }
0x34: {  	s15 =	simm.s32 $0x40;
	s16 =	simm.s32 $0x0;
	[tilespmem:$0x14AF0] =	vst v0  }
.LBB2_2:
0x35: {  	p0 =	seq.s32 s16, $0x0  }
0x36: {  	s17 =	simm.s32 @!p0 $0x1  }
0x37: {  	_ =	swait.ge @!p0 [sflag:s17], $0xA000  }
0x38: {  	[sflag:s17] =	ssyncset.done @!p0 $0x0  }
0x39: {  	[sflag:s17] =	ssyncadd.s32 @!p0 $0xFFFF6000  }
0x3a: {  	v7 =	vld [tilespmem:$0x14A80];
	_ =	sdelay $0x4  }
0x3b: {  	v8 =	vshll.u32 v7, $0x3;
	v9 =	vadd.s32 $0x1, v7  }
0x3c: {  	v7 =	vand.u32 $0x7F, v7;
	v8 =	vand.u32 $0xFFFFFC00, v8;
	v10 =	vshll.u32 v9, $0x3  }
0x3d: {  	v7 =	vor.u32 v7, v8;
	v8 =	vand.u32 $0x7F, v9;
	v56 =	vand.u32 $0xFFFFFC00, v10  }
0x3e: {  	v7 =	vadd.s32 v1, v7;
	v8 =	vor.u32 v8, v56  }
0x3f: {  	v8 =	vadd.s32 v1, v8;
	_ =	sdelay $0x3  }
0x40: {  	[tilespmem:v7+s10+$0x0] =	vst.idx.msk $0xffff, v2  }
0x41: {  	[tilespmem:v8+s10+$0x0] =	vst.idx.msk $0xffff, v2  }
0x42: {  	v7 =	vld [tilespmem:$0x14A90];
	_ =	sdelay $0x4  }
0x43: {  	v8 =	vshll.u32 v7, $0x3;
	v57 =	vadd.s32 $0x1, v7  }
0x44: {  	v7 =	vand.u32 $0x7F, v7;
	v8 =	vand.u32 $0xFFFFFC00, v8;
	v58 =	vshll.u32 v57, $0x3  }
0x45: {  	v7 =	vor.u32 v7, v8;
	v8 =	vand.u32 $0x7F, v57;
	v59 =	vand.u32 $0xFFFFFC00, v58  }
0x46: {  	v7 =	vadd.s32 v3, v7;
	v8 =	vor.u32 v8, v59  }
0x47: {  	v8 =	vadd.s32 v3, v8;
	_ =	sdelay $0x3  }
0x48: {  	[tilespmem:v7+s10+$0x0] =	vst.idx.msk $0xffff, v2  }
0x49: {  	[tilespmem:v8+s10+$0x0] =	vst.idx.msk $0xffff, v2  }
0x4a: {  	v7 =	vld [tilespmem:$0x14AA0];
	_ =	sdelay $0x4  }
0x4b: {  	v8 =	vshll.u32 v7, $0x3;
	v60 =	vadd.s32 $0x1, v7  }
0x4c: {  	v7 =	vand.u32 $0x7F, v7;
	v8 =	vand.u32 $0xFFFFFC00, v8;
	v61 =	vshll.u32 v60, $0x3  }
0x4d: {  	v7 =	vor.u32 v7, v8;
	v8 =	vand.u32 $0x7F, v60;
	v62 =	vand.u32 $0xFFFFFC00, v61  }
0x4e: {  	v7 =	vadd.s32 v4, v7;
	v8 =	vor.u32 v8, v62  }
0x4f: {  	v8 =	vadd.s32 v4, v8;
	_ =	sdelay $0x3  }
0x50: {  	[tilespmem:v7+s10+$0x0] =	vst.idx.msk $0xffff, v2  }
0x51: {  	[tilespmem:v8+s10+$0x0] =	vst.idx.msk $0xffff, v2  }
0x52: {  	v7 =	vld [tilespmem:$0x14AB0];
	_ =	sdelay $0x4  }
0x53: {  	v8 =	vshll.u32 v7, $0x3;
	v63 =	vadd.s32 $0x1, v7  }
0x54: {  	v7 =	vand.u32 $0x7F, v7;
	v8 =	vand.u32 $0xFFFFFC00, v8;
	v12 =	vshll.u32 v63, $0x3  }
0x55: {  	v7 =	vor.u32 v7, v8;
	v8 =	vand.u32 $0x7F, v63;
	v13 =	vand.u32 $0xFFFFFC00, v12  }
0x56: {  	v7 =	vadd.s32 v5, v7;
	v8 =	vor.u32 v8, v13  }
0x57: {  	v8 =	vadd.s32 v5, v8;
	_ =	sdelay $0x3  }
0x58: {  	[tilespmem:v7+s10+$0x0] =	vst.idx.msk $0xffff, v2  }
0x59: {  	[tilespmem:v8+s10+$0x0] =	vst.idx.msk $0xffff, v2  }
0x5a: {  	v7 =	vld [tilespmem:s15+$0xFFFFFFC0];
	_ =	sdelay $0x4  }
0x5b: {  	v7 =	vmax.f32 v7, $-5.870558590e+04  }
0x5c: {  	v7 =	vmin.f32 v7, $5.870558590e+04  }
0x5d: {  	v8 =	vand.u32 $0x7FFFFFFF, v7  }
0x5e: {  	v14 =	vadd.f32 $1.000000000e+00, v8;
	_ =	sdelay $0x1  }
0x5f: {  	v15 =	vshra.s32 v14, $0x1  }
0x60: {  	v10 =	vadd.s32 $0x1FBD1DF5, v15  }
0x61: {  	(erf) = vrcp.f32 v10;
	_ =	sdelay $0x8  }
0x62: {  	v11 =	vpop (erf)  }
0x63: {  	v11 =	vmul.f32 v11, v14;
	_ =	sdelay $0x1  }
0x64: {  	v10 =	vadd.f32 v10, v11;
	_ =	sdelay $0x1  }
0x65: {  	v10 =	vmul.f32 $5.000000000e-01, v10;
	_ =	sdelay $0x1  }
0x66: {  	(erf) = vrcp.f32 v10;
	_ =	sdelay $0x8  }
0x67: {  	v16 =	vpop (erf)  }
0x68: {  	v11 =	vmul.f32 v16, v14;
	_ =	sdelay $0x1  }
0x69: {  	v10 =	vadd.f32 v11, v10;
	_ =	sdelay $0x1  }
0x6a: {  	v10 =	vmul.f32 $5.000000000e-01, v10;
	_ =	sdelay $0x1  }
0x6b: {  	(erf) = vrcp.f32 v10;
	_ =	sdelay $0x8  }
0x6c: {  	v17 =	vpop (erf)  }
0x6d: {  	v9 =	vmul.f32 v17, v14;
	_ =	sdelay $0x1  }
0x6e: {  	v9 =	vadd.f32 v9, v10;
	_ =	sdelay $0x1  }
0x6f: {  	v9 =	vmul.f32 $5.000000000e-01, v9;
	_ =	sdelay $0x1  }
0x70: {  	v8 =	vmul.f32 $1.000000050e-03, v8;
	v9 =	vadd.f32 $-1.000000000e+00, v9  }
0x71: {  	v18 =	vand.u32 $0x80000000, v7;
	vm0 =	vlt.f32 v7, $0.0e+00;
	vm1 =	vgt.f32 v7, $0.0e+00  }
0x72: {  	vm0 =	vmor vm1, vm0;
	v10 =	vor.u32 v18, v6;
	v8 =	vadd.f32 v9, v8  }
0x73: {  	v19 =	vsel vm0, v10, v7  }
0x74: {  	v8 =	vmul.f32 v8, v19;
	_ =	sdelay $0x1  }
0x75: {  	v8 =	vadd.f32 $3.000000000e+02, v8;
	_ =	sdelay $0x1  }
0x76: {  	v8 =	vtrunc.f32 v8  }
0x77: {  	v8 =	vcvt.f32.s32 v8;
	_ =	sdelay $0x1  }
0x78: {  	vm6 =	vgt.s32 v8, $0x0  }
0x79: {  	v8 =	vnsel vm6, $0x0, v8  }
0x7a: {  	v8 =	vmin.u32 v8, $0x257;
	_ =	sdelay $0x3  }
0x7b: {  	v20 =	vadd.s32 $0x1, v8  }
0x7c: {  	v21 =	vld.idx.msk [tilespmem:v8+s9+$0x0], $0xffff;
	_ =	sdelay $0x3  }
0x7d: {  	v22 =	vld.idx.msk [tilespmem:v20+s9+$0x0], $0xffff  }
0x7e: {  	vm7 =	vle.f32 v7, v21  }
0x7f: {  	v10 =	vsel vm7, $0xFFFFFFFF, v0  }
0x80: {  	v8 =	vadd.s32 v10, v8  }
0x81: {  	vm8 =	vgt.s32 v8, $0x0  }
0x82: {  	vm9 =	vlt.f32 v22, v7;
	v8 =	vnsel vm8, $0x0, v8  }
0x83: {  	v8 =	vsel vm9, v20, v8  }
0x84: {  	v8 =	vmin.u32 v8, $0x257  }
0x85: {  	v23 =	vadd.s32 $0x1, v8;
	_ =	sdelay $0x3  }
0x86: {  	v24 =	vld.idx.msk [tilespmem:v8+s9+$0x0], $0xffff  }
0x87: {  	v25 =	vld.idx.msk [tilespmem:v23+s9+$0x0], $0xffff;
	_ =	sdelay $0x4  }
0x88: {  	v10 =	vsub.f32 v25, v24;
	_ =	sdelay $0x1  }
0x89: {  	(erf) = vrcp.f32 v10;
	_ =	sdelay $0x4  }
0x8a: {  	v26 =	vshll.u32 v8, $0x3  }
0x8b: {  	v12 =	vand.u32 $0x7F, v8;
	v13 =	vshll.u32 v23, $0x3;
	v10 =	vand.u32 $0x1C00, v26  }
0x8c: {  	v9 =	vand.u32 $0x7F, v23;
	v27 =	vand.u32 $0x3C00, v13;
	v10 =	vor.u32 v12, v10  }
0x8d: {  	v9 =	vor.u32 v9, v27;
	v7 =	vsub.f32 v25, v7;
	v10 =	vadd.s32 v1, v10  }
0x8e: {  	v9 =	vadd.s32 v1, v9;
	v28 =	vpop (erf)  }
0x8f: {  	v7 =	vmul.f32 v28, v7;
	_ =	sdelay $0x1  }
0x90: {  	v11 =	vsub.f32 $1.000000000e+00, v7  }
0x91: {  	[tilespmem:v10+s10+$0x0] =	vst.idx.msk $0xffff, v7  }
0x92: {  	[tilespmem:v9+s10+$0x0] =	vst.idx.msk $0xffff, v11  }
0x93: {  	[tilespmem:$0x14A80] =	vst v8  }
0x94: {  	v7 =	vld [tilespmem:s15+$0xFFFFFFD0];
	_ =	sdelay $0x4  }
0x95: {  	v7 =	vmax.f32 v7, $-5.870558590e+04  }
0x96: {  	v7 =	vmin.f32 v7, $5.870558590e+04  }
0x97: {  	v8 =	vand.u32 $0x7FFFFFFF, v7  }
0x98: {  	v29 =	vadd.f32 $1.000000000e+00, v8;
	_ =	sdelay $0x1  }
0x99: {  	v30 =	vshra.s32 v29, $0x1  }
0x9a: {  	v10 =	vadd.s32 $0x1FBD1DF5, v30  }
0x9b: {  	(erf) = vrcp.f32 v10;
	_ =	sdelay $0x8  }
0x9c: {  	v31 =	vpop (erf)  }
0x9d: {  	v11 =	vmul.f32 v31, v29;
	_ =	sdelay $0x1  }
0x9e: {  	v10 =	vadd.f32 v10, v11;
	_ =	sdelay $0x1  }
0x9f: {  	v10 =	vmul.f32 $5.000000000e-01, v10;
	_ =	sdelay $0x1  }
0xa0: {  	(erf) = vrcp.f32 v10;
	_ =	sdelay $0x8  }
0xa1: {  	v32 =	vpop (erf)  }
0xa2: {  	v11 =	vmul.f32 v32, v29;
	_ =	sdelay $0x1  }
0xa3: {  	v10 =	vadd.f32 v11, v10;
	_ =	sdelay $0x1  }
0xa4: {  	v10 =	vmul.f32 $5.000000000e-01, v10;
	_ =	sdelay $0x1  }
0xa5: {  	(erf) = vrcp.f32 v10;
	_ =	sdelay $0x8  }
0xa6: {  	v33 =	vpop (erf)  }
0xa7: {  	v9 =	vmul.f32 v33, v29;
	_ =	sdelay $0x1  }
0xa8: {  	v9 =	vadd.f32 v9, v10;
	_ =	sdelay $0x1  }
0xa9: {  	v9 =	vmul.f32 $5.000000000e-01, v9;
	_ =	sdelay $0x1  }
0xaa: {  	v8 =	vmul.f32 $1.000000050e-03, v8;
	v9 =	vadd.f32 $-1.000000000e+00, v9  }
0xab: {  	v34 =	vand.u32 $0x80000000, v7;
	vm10 =	vlt.f32 v7, $0.0e+00;
	vm11 =	vgt.f32 v7, $0.0e+00  }
0xac: {  	vm0 =	vmor vm11, vm10;
	v10 =	vor.u32 v34, v6;
	v8 =	vadd.f32 v9, v8  }
0xad: {  	v35 =	vsel vm0, v10, v7  }
0xae: {  	v8 =	vmul.f32 v8, v35;
	_ =	sdelay $0x1  }
0xaf: {  	v8 =	vadd.f32 $3.000000000e+02, v8;
	_ =	sdelay $0x1  }
0xb0: {  	v8 =	vtrunc.f32 v8  }
0xb1: {  	v8 =	vcvt.f32.s32 v8;
	_ =	sdelay $0x1  }
0xb2: {  	vm12 =	vgt.s32 v8, $0x0  }
0xb3: {  	v8 =	vnsel vm12, $0x0, v8  }
0xb4: {  	v8 =	vmin.u32 v8, $0x257;
	_ =	sdelay $0x3  }
0xb5: {  	v36 =	vadd.s32 $0x1, v8  }
0xb6: {  	v37 =	vld.idx.msk [tilespmem:v8+s9+$0x0], $0xffff;
	_ =	sdelay $0x3  }
0xb7: {  	v38 =	vld.idx.msk [tilespmem:v36+s9+$0x0], $0xffff  }
0xb8: {  	vm13 =	vle.f32 v7, v37  }
0xb9: {  	v10 =	vsel vm13, $0xFFFFFFFF, v0  }
0xba: {  	v8 =	vadd.s32 v10, v8  }
0xbb: {  	vm14 =	vgt.s32 v8, $0x0  }
0xbc: {  	vm15 =	vlt.f32 v38, v7;
	v8 =	vnsel vm14, $0x0, v8  }
0xbd: {  	v8 =	vsel vm15, v36, v8  }
0xbe: {  	v8 =	vmin.u32 v8, $0x257  }
0xbf: {  	v39 =	vadd.s32 $0x1, v8;
	_ =	sdelay $0x3  }
0xc0: {  	v40 =	vld.idx.msk [tilespmem:v8+s9+$0x0], $0xffff  }
0xc1: {  	v41 =	vld.idx.msk [tilespmem:v39+s9+$0x0], $0xffff;
	_ =	sdelay $0x4  }
0xc2: {  	v10 =	vsub.f32 v41, v40;
	_ =	sdelay $0x1  }
0xc3: {  	(erf) = vrcp.f32 v10;
	_ =	sdelay $0x4  }
0xc4: {  	v42 =	vshll.u32 v8, $0x3  }
0xc5: {  	v43 =	vand.u32 $0x7F, v8;
	v44 =	vshll.u32 v39, $0x3;
	v10 =	vand.u32 $0x1C00, v42  }
0xc6: {  	v9 =	vand.u32 $0x7F, v39;
	v45 =	vand.u32 $0x3C00, v44;
	v10 =	vor.u32 v43, v10  }
0xc7: {  	v9 =	vor.u32 v9, v45;
	v7 =	vsub.f32 v41, v7;
	v10 =	vadd.s32 v3, v10  }
0xc8: {  	v9 =	vadd.s32 v3, v9;
	v46 =	vpop (erf)  }
0xc9: {  	v7 =	vmul.f32 v46, v7;
	_ =	sdelay $0x1  }
0xca: {  	v11 =	vsub.f32 $1.000000000e+00, v7  }
0xcb: {  	[tilespmem:v10+s10+$0x0] =	vst.idx.msk $0xffff, v7  }
0xcc: {  	[tilespmem:v9+s10+$0x0] =	vst.idx.msk $0xffff, v11  }
0xcd: {  	[tilespmem:$0x14A90] =	vst v8  }
0xce: {  	v7 =	vld [tilespmem:s15+$0xFFFFFFE0];
	_ =	sdelay $0x4  }
0xcf: {  	v7 =	vmax.f32 v7, $-5.870558590e+04  }
0xd0: {  	v7 =	vmin.f32 v7, $5.870558590e+04  }
0xd1: {  	v8 =	vand.u32 $0x7FFFFFFF, v7  }
0xd2: {  	v47 =	vadd.f32 $1.000000000e+00, v8;
	_ =	sdelay $0x1  }
0xd3: {  	v48 =	vshra.s32 v47, $0x1  }
0xd4: {  	v10 =	vadd.s32 $0x1FBD1DF5, v48  }
0xd5: {  	(erf) = vrcp.f32 v10;
	_ =	sdelay $0x8  }
0xd6: {  	v49 =	vpop (erf)  }
0xd7: {  	v11 =	vmul.f32 v49, v47;
	_ =	sdelay $0x1  }
0xd8: {  	v10 =	vadd.f32 v10, v11;
	_ =	sdelay $0x1  }
0xd9: {  	v10 =	vmul.f32 $5.000000000e-01, v10;
	_ =	sdelay $0x1  }
0xda: {  	(erf) = vrcp.f32 v10;
	_ =	sdelay $0x8  }
0xdb: {  	v50 =	vpop (erf)  }
0xdc: {  	v11 =	vmul.f32 v50, v47;
	_ =	sdelay $0x1  }
0xdd: {  	v10 =	vadd.f32 v11, v10;
	_ =	sdelay $0x1  }
0xde: {  	v10 =	vmul.f32 $5.000000000e-01, v10;
	_ =	sdelay $0x1  }
0xdf: {  	(erf) = vrcp.f32 v10;
	_ =	sdelay $0x8  }
0xe0: {  	v51 =	vpop (erf)  }
0xe1: {  	v9 =	vmul.f32 v51, v47;
	_ =	sdelay $0x1  }
0xe2: {  	v9 =	vadd.f32 v9, v10;
	_ =	sdelay $0x1  }
0xe3: {  	v9 =	vmul.f32 $5.000000000e-01, v9;
	_ =	sdelay $0x1  }
0xe4: {  	v8 =	vmul.f32 $1.000000050e-03, v8;
	v9 =	vadd.f32 $-1.000000000e+00, v9  }
0xe5: {  	v52 =	vand.u32 $0x80000000, v7;
	vm4 =	vlt.f32 v7, $0.0e+00;
	vm5 =	vgt.f32 v7, $0.0e+00  }
0xe6: {  	vm0 =	vmor vm5, vm4;
	v10 =	vor.u32 v52, v6;
	v8 =	vadd.f32 v9, v8  }
0xe7: {  	v53 =	vsel vm0, v10, v7  }
0xe8: {  	v8 =	vmul.f32 v8, v53;
	_ =	sdelay $0x1  }
0xe9: {  	v8 =	vadd.f32 $3.000000000e+02, v8;
	_ =	sdelay $0x1  }
0xea: {  	v8 =	vtrunc.f32 v8  }
0xeb: {  	v8 =	vcvt.f32.s32 v8;
	_ =	sdelay $0x1  }
0xec: {  	vm6 =	vgt.s32 v8, $0x0  }
0xed: {  	v8 =	vnsel vm6, $0x0, v8  }
0xee: {  	v8 =	vmin.u32 v8, $0x257;
	_ =	sdelay $0x3  }
0xef: {  	v54 =	vadd.s32 $0x1, v8  }
0xf0: {  	v55 =	vld.idx.msk [tilespmem:v8+s9+$0x0], $0xffff;
	_ =	sdelay $0x3  }
0xf1: {  	v56 =	vld.idx.msk [tilespmem:v54+s9+$0x0], $0xffff  }
0xf2: {  	vm7 =	vle.f32 v7, v55  }
0xf3: {  	v10 =	vsel vm7, $0xFFFFFFFF, v0  }
0xf4: {  	v8 =	vadd.s32 v10, v8  }
0xf5: {  	vm8 =	vgt.s32 v8, $0x0  }
0xf6: {  	vm9 =	vlt.f32 v56, v7;
	v8 =	vnsel vm8, $0x0, v8  }
0xf7: {  	v8 =	vsel vm9, v54, v8  }
0xf8: {  	v8 =	vmin.u32 v8, $0x257  }
0xf9: {  	v57 =	vadd.s32 $0x1, v8;
	_ =	sdelay $0x3  }
0xfa: {  	v58 =	vld.idx.msk [tilespmem:v8+s9+$0x0], $0xffff  }
0xfb: {  	v59 =	vld.idx.msk [tilespmem:v57+s9+$0x0], $0xffff;
	_ =	sdelay $0x4  }
0xfc: {  	v10 =	vsub.f32 v59, v58;
	_ =	sdelay $0x1  }
0xfd: {  	(erf) = vrcp.f32 v10;
	_ =	sdelay $0x4  }
0xfe: {  	v60 =	vshll.u32 v8, $0x3  }
0xff: {  	v61 =	vand.u32 $0x7F, v8;
	v62 =	vshll.u32 v57, $0x3;
	v10 =	vand.u32 $0x1C00, v60  }
0x100: {  	v9 =	vand.u32 $0x7F, v57;
	v63 =	vand.u32 $0x3C00, v62;
	v10 =	vor.u32 v61, v10  }
0x101: {  	v9 =	vor.u32 v9, v63;
	v7 =	vsub.f32 v59, v7;
	v10 =	vadd.s32 v4, v10  }
0x102: {  	v9 =	vadd.s32 v4, v9;
	v13 =	vpop (erf)  }
0x103: {  	v7 =	vmul.f32 v13, v7;
	_ =	sdelay $0x1  }
0x104: {  	v11 =	vsub.f32 $1.000000000e+00, v7  }
0x105: {  	[tilespmem:v10+s10+$0x0] =	vst.idx.msk $0xffff, v7  }
0x106: {  	[tilespmem:v9+s10+$0x0] =	vst.idx.msk $0xffff, v11  }
0x107: {  	[tilespmem:$0x14AA0] =	vst v8  }
0x108: {  	v7 =	vld [tilespmem:s15+$0xFFFFFFF0];
	_ =	sdelay $0x4  }
0x109: {  	v7 =	vmax.f32 v7, $-5.870558590e+04  }
0x10a: {  	v7 =	vmin.f32 v7, $5.870558590e+04  }
0x10b: {  	v8 =	vand.u32 $0x7FFFFFFF, v7  }
0x10c: {  	v14 =	vadd.f32 $1.000000000e+00, v8;
	_ =	sdelay $0x1  }
0x10d: {  	v15 =	vshra.s32 v14, $0x1  }
0x10e: {  	v10 =	vadd.s32 $0x1FBD1DF5, v15  }
0x10f: {  	(erf) = vrcp.f32 v10;
	_ =	sdelay $0x8  }
0x110: {  	v16 =	vpop (erf)  }
0x111: {  	v11 =	vmul.f32 v16, v14;
	_ =	sdelay $0x1  }
0x112: {  	v10 =	vadd.f32 v10, v11;
	_ =	sdelay $0x1  }
0x113: {  	v10 =	vmul.f32 $5.000000000e-01, v10;
	_ =	sdelay $0x1  }
0x114: {  	(erf) = vrcp.f32 v10;
	_ =	sdelay $0x8  }
0x115: {  	v17 =	vpop (erf)  }
0x116: {  	v11 =	vmul.f32 v17, v14;
	_ =	sdelay $0x1  }
0x117: {  	v10 =	vadd.f32 v11, v10;
	_ =	sdelay $0x1  }
0x118: {  	v10 =	vmul.f32 $5.000000000e-01, v10;
	_ =	sdelay $0x1  }
0x119: {  	(erf) = vrcp.f32 v10;
	_ =	sdelay $0x8  }
0x11a: {  	v18 =	vpop (erf)  }
0x11b: {  	v9 =	vmul.f32 v18, v14;
	_ =	sdelay $0x1  }
0x11c: {  	v9 =	vadd.f32 v9, v10;
	_ =	sdelay $0x1  }
0x11d: {  	v9 =	vmul.f32 $5.000000000e-01, v9;
	_ =	sdelay $0x1  }
0x11e: {  	v8 =	vmul.f32 $1.000000050e-03, v8;
	v9 =	vadd.f32 $-1.000000000e+00, v9  }
0x11f: {  	v19 =	vand.u32 $0x80000000, v7;
	vm10 =	vlt.f32 v7, $0.0e+00;
	vm11 =	vgt.f32 v7, $0.0e+00  }
0x120: {  	vm0 =	vmor vm11, vm10;
	v10 =	vor.u32 v19, v6;
	v8 =	vadd.f32 v9, v8  }
0x121: {  	v20 =	vsel vm0, v10, v7  }
0x122: {  	v8 =	vmul.f32 v8, v20;
	_ =	sdelay $0x1  }
0x123: {  	v8 =	vadd.f32 $3.000000000e+02, v8;
	_ =	sdelay $0x1  }
0x124: {  	v8 =	vtrunc.f32 v8  }
0x125: {  	v8 =	vcvt.f32.s32 v8;
	_ =	sdelay $0x1  }
0x126: {  	vm12 =	vgt.s32 v8, $0x0  }
0x127: {  	v8 =	vnsel vm12, $0x0, v8  }
0x128: {  	v8 =	vmin.u32 v8, $0x257;
	_ =	sdelay $0x3  }
0x129: {  	v21 =	vadd.s32 $0x1, v8  }
0x12a: {  	v22 =	vld.idx.msk [tilespmem:v8+s9+$0x0], $0xffff;
	_ =	sdelay $0x3  }
0x12b: {  	v23 =	vld.idx.msk [tilespmem:v21+s9+$0x0], $0xffff  }
0x12c: {  	vm13 =	vle.f32 v7, v22  }
0x12d: {  	v10 =	vsel vm13, $0xFFFFFFFF, v0  }
0x12e: {  	v8 =	vadd.s32 v10, v8  }
0x12f: {  	vm14 =	vgt.s32 v8, $0x0  }
0x130: {  	vm15 =	vlt.f32 v23, v7;
	v8 =	vnsel vm14, $0x0, v8  }
0x131: {  	v8 =	vsel vm15, v21, v8  }
0x132: {  	v8 =	vmin.u32 v8, $0x257  }
0x133: {  	v24 =	vadd.s32 $0x1, v8;
	_ =	sdelay $0x3  }
0x134: {  	v25 =	vld.idx.msk [tilespmem:v8+s9+$0x0], $0xffff  }
0x135: {  	v26 =	vld.idx.msk [tilespmem:v24+s9+$0x0], $0xffff;
	_ =	sdelay $0x4  }
0x136: {  	v10 =	vsub.f32 v26, v25;
	_ =	sdelay $0x1  }
0x137: {  	(erf) = vrcp.f32 v10;
	_ =	sdelay $0x4  }
0x138: {  	v27 =	vshll.u32 v8, $0x3  }
0x139: {  	v28 =	vand.u32 $0x7F, v8;
	v29 =	vshll.u32 v24, $0x3;
	v10 =	vand.u32 $0x1C00, v27  }
0x13a: {  	v9 =	vand.u32 $0x7F, v24;
	v30 =	vand.u32 $0x3C00, v29;
	v10 =	vor.u32 v28, v10  }
0x13b: {  	v9 =	vor.u32 v9, v30;
	v7 =	vsub.f32 v26, v7;
	v10 =	vadd.s32 v5, v10  }
0x13c: {  	v9 =	vadd.s32 v5, v9;
	v31 =	vpop (erf)  }
0x13d: {  	v7 =	vmul.f32 v31, v7;
	_ =	sdelay $0x1  }
0x13e: {  	v11 =	vsub.f32 $1.000000000e+00, v7  }
0x13f: {  	[tilespmem:v10+s10+$0x0] =	vst.idx.msk $0xffff, v7  }
0x140: {  	[tilespmem:v9+s10+$0x0] =	vst.idx.msk $0xffff, v11  }
0x141: {  	s31 =	sadd.s32 s16, s7;
	s18 =	simm.s32 @!p0 $0x2;
	[tilespmem:$0x14AB0] =	vst v8  }
0x142: {  	[hbm4b:s31+s4] =	stream.linear.scatter [tilespmem:s10], [sflag:$0x1], $0xA000, $0x38;
	[tilespmem:$0x14B00] =	vst v63  }
0x143: {  	_ =	swait.ge @!p0 [sflag:s18], $0xA000  }
0x144: {  	[sflag:s18] =	ssyncset.done @!p0 $0x0  }
0x145: {  	[sflag:s18] =	ssyncadd.s32 @!p0 $0xFFFF6000  }
0x146: {  	v7 =	vld [tilespmem:$0x14AC0];
	_ =	sdelay $0x4  }
0x147: {  	v8 =	vshll.u32 v7, $0x3;
	v32 =	vadd.s32 $0x1, v7  }
0x148: {  	v7 =	vand.u32 $0x7F, v7;
	v8 =	vand.u32 $0xFFFFFC00, v8;
	v33 =	vshll.u32 v32, $0x3  }
0x149: {  	v7 =	vor.u32 v7, v8;
	v8 =	vand.u32 $0x7F, v32;
	v34 =	vand.u32 $0xFFFFFC00, v33  }
0x14a: {  	v7 =	vadd.s32 v1, v7;
	v8 =	vor.u32 v8, v34  }
0x14b: {  	v8 =	vadd.s32 v1, v8;
	_ =	sdelay $0x3  }
0x14c: {  	[tilespmem:v7+s11+$0x0] =	vst.idx.msk $0xffff, v2  }
0x14d: {  	[tilespmem:v8+s11+$0x0] =	vst.idx.msk $0xffff, v2  }
0x14e: {  	v7 =	vld [tilespmem:$0x14AD0];
	_ =	sdelay $0x4  }
0x14f: {  	v8 =	vshll.u32 v7, $0x3;
	v35 =	vadd.s32 $0x1, v7  }
0x150: {  	v7 =	vand.u32 $0x7F, v7;
	v8 =	vand.u32 $0xFFFFFC00, v8;
	v36 =	vshll.u32 v35, $0x3  }
0x151: {  	v7 =	vor.u32 v7, v8;
	v8 =	vand.u32 $0x7F, v35;
	v37 =	vand.u32 $0xFFFFFC00, v36  }
0x152: {  	v7 =	vadd.s32 v3, v7;
	v8 =	vor.u32 v8, v37  }
0x153: {  	v8 =	vadd.s32 v3, v8;
	_ =	sdelay $0x3  }
0x154: {  	[tilespmem:v7+s11+$0x0] =	vst.idx.msk $0xffff, v2  }
0x155: {  	[tilespmem:v8+s11+$0x0] =	vst.idx.msk $0xffff, v2  }
0x156: {  	v7 =	vld [tilespmem:$0x14AE0];
	_ =	sdelay $0x4  }
0x157: {  	v8 =	vshll.u32 v7, $0x3;
	v38 =	vadd.s32 $0x1, v7  }
0x158: {  	v7 =	vand.u32 $0x7F, v7;
	v8 =	vand.u32 $0xFFFFFC00, v8;
	v39 =	vshll.u32 v38, $0x3  }
0x159: {  	v7 =	vor.u32 v7, v8;
	v8 =	vand.u32 $0x7F, v38;
	v40 =	vand.u32 $0xFFFFFC00, v39  }
0x15a: {  	v7 =	vadd.s32 v4, v7;
	v8 =	vor.u32 v8, v40  }
0x15b: {  	v8 =	vadd.s32 v4, v8;
	_ =	sdelay $0x3  }
0x15c: {  	[tilespmem:v7+s11+$0x0] =	vst.idx.msk $0xffff, v2  }
0x15d: {  	[tilespmem:v8+s11+$0x0] =	vst.idx.msk $0xffff, v2  }
0x15e: {  	v7 =	vld [tilespmem:$0x14AF0];
	_ =	sdelay $0x4  }
0x15f: {  	v8 =	vshll.u32 v7, $0x3;
	v41 =	vadd.s32 $0x1, v7  }
0x160: {  	v7 =	vand.u32 $0x7F, v7;
	v8 =	vand.u32 $0xFFFFFC00, v8;
	v42 =	vshll.u32 v41, $0x3  }
0x161: {  	v7 =	vor.u32 v7, v8;
	v8 =	vand.u32 $0x7F, v41;
	v43 =	vand.u32 $0xFFFFFC00, v42  }
0x162: {  	v7 =	vadd.s32 v5, v7;
	v8 =	vor.u32 v8, v43  }
0x163: {  	v8 =	vadd.s32 v5, v8;
	_ =	sdelay $0x3  }
0x164: {  	[tilespmem:v7+s11+$0x0] =	vst.idx.msk $0xffff, v2  }
0x165: {  	[tilespmem:v8+s11+$0x0] =	vst.idx.msk $0xffff, v2  }
0x166: {  	v7 =	vld [tilespmem:s15+$0x0];
	_ =	sdelay $0x4  }
0x167: {  	v7 =	vmax.f32 v7, $-5.870558590e+04  }
0x168: {  	v7 =	vmin.f32 v7, $5.870558590e+04  }
0x169: {  	v8 =	vand.u32 $0x7FFFFFFF, v7  }
0x16a: {  	v44 =	vadd.f32 $1.000000000e+00, v8;
	_ =	sdelay $0x1  }
0x16b: {  	v45 =	vshra.s32 v44, $0x1  }
0x16c: {  	v10 =	vadd.s32 $0x1FBD1DF5, v45  }
0x16d: {  	(erf) = vrcp.f32 v10;
	_ =	sdelay $0x8  }
0x16e: {  	v46 =	vpop (erf)  }
0x16f: {  	v11 =	vmul.f32 v46, v44;
	_ =	sdelay $0x1  }
0x170: {  	v10 =	vadd.f32 v10, v11;
	_ =	sdelay $0x1  }
0x171: {  	v10 =	vmul.f32 $5.000000000e-01, v10;
	_ =	sdelay $0x1  }
0x172: {  	(erf) = vrcp.f32 v10;
	_ =	sdelay $0x8  }
0x173: {  	v47 =	vpop (erf)  }
0x174: {  	v11 =	vmul.f32 v47, v44;
	_ =	sdelay $0x1  }
0x175: {  	v10 =	vadd.f32 v11, v10;
	_ =	sdelay $0x1  }
0x176: {  	v10 =	vmul.f32 $5.000000000e-01, v10;
	_ =	sdelay $0x1  }
0x177: {  	(erf) = vrcp.f32 v10;
	_ =	sdelay $0x8  }
0x178: {  	v48 =	vpop (erf)  }
0x179: {  	v9 =	vmul.f32 v48, v44;
	_ =	sdelay $0x1  }
0x17a: {  	v9 =	vadd.f32 v9, v10;
	_ =	sdelay $0x1  }
0x17b: {  	v9 =	vmul.f32 $5.000000000e-01, v9;
	_ =	sdelay $0x1  }
0x17c: {  	v8 =	vmul.f32 $1.000000050e-03, v8;
	v9 =	vadd.f32 $-1.000000000e+00, v9  }
0x17d: {  	v49 =	vand.u32 $0x80000000, v7;
	vm4 =	vlt.f32 v7, $0.0e+00;
	vm5 =	vgt.f32 v7, $0.0e+00  }
0x17e: {  	vm0 =	vmor vm5, vm4;
	v10 =	vor.u32 v49, v6;
	v8 =	vadd.f32 v9, v8  }
0x17f: {  	v50 =	vsel vm0, v10, v7  }
0x180: {  	v8 =	vmul.f32 v8, v50;
	_ =	sdelay $0x1  }
0x181: {  	v8 =	vadd.f32 $3.000000000e+02, v8;
	_ =	sdelay $0x1  }
0x182: {  	v8 =	vtrunc.f32 v8  }
0x183: {  	v8 =	vcvt.f32.s32 v8;
	_ =	sdelay $0x1  }
0x184: {  	vm6 =	vgt.s32 v8, $0x0  }
0x185: {  	v8 =	vnsel vm6, $0x0, v8  }
0x186: {  	v8 =	vmin.u32 v8, $0x257;
	_ =	sdelay $0x3  }
0x187: {  	v51 =	vadd.s32 $0x1, v8  }
0x188: {  	v52 =	vld.idx.msk [tilespmem:v8+s9+$0x0], $0xffff;
	_ =	sdelay $0x3  }
0x189: {  	v53 =	vld.idx.msk [tilespmem:v51+s9+$0x0], $0xffff  }
0x18a: {  	vm7 =	vle.f32 v7, v52  }
0x18b: {  	v10 =	vsel vm7, $0xFFFFFFFF, v0  }
0x18c: {  	v8 =	vadd.s32 v10, v8  }
0x18d: {  	vm8 =	vgt.s32 v8, $0x0  }
0x18e: {  	vm9 =	vlt.f32 v53, v7;
	v8 =	vnsel vm8, $0x0, v8  }
0x18f: {  	v8 =	vsel vm9, v51, v8  }
0x190: {  	v8 =	vmin.u32 v8, $0x257  }
0x191: {  	v54 =	vadd.s32 $0x1, v8;
	_ =	sdelay $0x3  }
0x192: {  	v55 =	vld.idx.msk [tilespmem:v8+s9+$0x0], $0xffff  }
0x193: {  	v56 =	vld.idx.msk [tilespmem:v54+s9+$0x0], $0xffff;
	_ =	sdelay $0x4  }
0x194: {  	v10 =	vsub.f32 v56, v55;
	_ =	sdelay $0x1  }
0x195: {  	(erf) = vrcp.f32 v10;
	_ =	sdelay $0x4  }
0x196: {  	v57 =	vshll.u32 v8, $0x3  }
0x197: {  	v58 =	vand.u32 $0x7F, v8;
	v59 =	vshll.u32 v54, $0x3;
	v10 =	vand.u32 $0x1C00, v57  }
0x198: {  	v9 =	vand.u32 $0x7F, v54;
	v60 =	vand.u32 $0x3C00, v59;
	v10 =	vor.u32 v58, v10  }
0x199: {  	v9 =	vor.u32 v9, v60;
	v7 =	vsub.f32 v56, v7;
	v10 =	vadd.s32 v1, v10  }
0x19a: {  	v9 =	vadd.s32 v1, v9;
	v61 =	vpop (erf)  }
0x19b: {  	v7 =	vmul.f32 v61, v7;
	_ =	sdelay $0x1  }
0x19c: {  	v11 =	vsub.f32 $1.000000000e+00, v7  }
0x19d: {  	[tilespmem:v10+s11+$0x0] =	vst.idx.msk $0xffff, v7  }
0x19e: {  	[tilespmem:v9+s11+$0x0] =	vst.idx.msk $0xffff, v11  }
0x19f: {  	[tilespmem:$0x14AC0] =	vst v8  }
0x1a0: {  	v7 =	vld [tilespmem:s15+$0x10];
	_ =	sdelay $0x4  }
0x1a1: {  	v7 =	vmax.f32 v7, $-5.870558590e+04  }
0x1a2: {  	v7 =	vmin.f32 v7, $5.870558590e+04  }
0x1a3: {  	v8 =	vand.u32 $0x7FFFFFFF, v7  }
0x1a4: {  	v62 =	vadd.f32 $1.000000000e+00, v8;
	_ =	sdelay $0x1  }
0x1a5: {  	v63 =	vshra.s32 v62, $0x1  }
0x1a6: {  	v10 =	vadd.s32 $0x1FBD1DF5, v63  }
0x1a7: {  	(erf) = vrcp.f32 v10;
	_ =	sdelay $0x8  }
0x1a8: {  	v12 =	vpop (erf)  }
0x1a9: {  	v11 =	vmul.f32 v12, v62;
	_ =	sdelay $0x1  }
0x1aa: {  	v10 =	vadd.f32 v10, v11;
	_ =	sdelay $0x1  }
0x1ab: {  	v10 =	vmul.f32 $5.000000000e-01, v10;
	_ =	sdelay $0x1  }
0x1ac: {  	(erf) = vrcp.f32 v10;
	_ =	sdelay $0x8  }
0x1ad: {  	v13 =	vpop (erf)  }
0x1ae: {  	v11 =	vmul.f32 v13, v62;
	_ =	sdelay $0x1  }
0x1af: {  	v10 =	vadd.f32 v11, v10;
	_ =	sdelay $0x1  }
0x1b0: {  	v10 =	vmul.f32 $5.000000000e-01, v10;
	_ =	sdelay $0x1  }
0x1b1: {  	(erf) = vrcp.f32 v10;
	_ =	sdelay $0x8  }
0x1b2: {  	v14 =	vpop (erf)  }
0x1b3: {  	v9 =	vmul.f32 v14, v62;
	_ =	sdelay $0x1  }
0x1b4: {  	v9 =	vadd.f32 v9, v10;
	_ =	sdelay $0x1  }
0x1b5: {  	v9 =	vmul.f32 $5.000000000e-01, v9;
	_ =	sdelay $0x1  }
0x1b6: {  	v8 =	vmul.f32 $1.000000050e-03, v8;
	v9 =	vadd.f32 $-1.000000000e+00, v9  }
0x1b7: {  	v15 =	vand.u32 $0x80000000, v7;
	vm10 =	vlt.f32 v7, $0.0e+00;
	vm11 =	vgt.f32 v7, $0.0e+00  }
0x1b8: {  	vm0 =	vmor vm11, vm10;
	v10 =	vor.u32 v15, v6;
	v8 =	vadd.f32 v9, v8  }
0x1b9: {  	v16 =	vsel vm0, v10, v7  }
0x1ba: {  	v8 =	vmul.f32 v8, v16;
	_ =	sdelay $0x1  }
0x1bb: {  	v8 =	vadd.f32 $3.000000000e+02, v8;
	_ =	sdelay $0x1  }
0x1bc: {  	v8 =	vtrunc.f32 v8  }
0x1bd: {  	v8 =	vcvt.f32.s32 v8;
	_ =	sdelay $0x1  }
0x1be: {  	vm12 =	vgt.s32 v8, $0x0  }
0x1bf: {  	v8 =	vnsel vm12, $0x0, v8  }
0x1c0: {  	v8 =	vmin.u32 v8, $0x257;
	_ =	sdelay $0x3  }
0x1c1: {  	v17 =	vadd.s32 $0x1, v8  }
0x1c2: {  	v18 =	vld.idx.msk [tilespmem:v8+s9+$0x0], $0xffff;
	_ =	sdelay $0x3  }
0x1c3: {  	v19 =	vld.idx.msk [tilespmem:v17+s9+$0x0], $0xffff  }
0x1c4: {  	vm13 =	vle.f32 v7, v18  }
0x1c5: {  	v10 =	vsel vm13, $0xFFFFFFFF, v0  }
0x1c6: {  	v8 =	vadd.s32 v10, v8  }
0x1c7: {  	vm14 =	vgt.s32 v8, $0x0  }
0x1c8: {  	vm15 =	vlt.f32 v19, v7;
	v8 =	vnsel vm14, $0x0, v8  }
0x1c9: {  	v8 =	vsel vm15, v17, v8  }
0x1ca: {  	v8 =	vmin.u32 v8, $0x257  }
0x1cb: {  	v20 =	vadd.s32 $0x1, v8;
	_ =	sdelay $0x3  }
0x1cc: {  	v21 =	vld.idx.msk [tilespmem:v8+s9+$0x0], $0xffff  }
0x1cd: {  	v22 =	vld.idx.msk [tilespmem:v20+s9+$0x0], $0xffff;
	_ =	sdelay $0x4  }
0x1ce: {  	v10 =	vsub.f32 v22, v21;
	_ =	sdelay $0x1  }
0x1cf: {  	(erf) = vrcp.f32 v10;
	_ =	sdelay $0x4  }
0x1d0: {  	v23 =	vshll.u32 v8, $0x3  }
0x1d1: {  	v24 =	vand.u32 $0x7F, v8;
	v25 =	vshll.u32 v20, $0x3;
	v10 =	vand.u32 $0x1C00, v23  }
0x1d2: {  	v9 =	vand.u32 $0x7F, v20;
	v26 =	vand.u32 $0x3C00, v25;
	v10 =	vor.u32 v24, v10  }
0x1d3: {  	v9 =	vor.u32 v9, v26;
	v7 =	vsub.f32 v22, v7;
	v10 =	vadd.s32 v3, v10  }
0x1d4: {  	v9 =	vadd.s32 v3, v9;
	v27 =	vpop (erf)  }
0x1d5: {  	v7 =	vmul.f32 v27, v7;
	_ =	sdelay $0x1  }
0x1d6: {  	v11 =	vsub.f32 $1.000000000e+00, v7  }
0x1d7: {  	[tilespmem:v10+s11+$0x0] =	vst.idx.msk $0xffff, v7  }
0x1d8: {  	[tilespmem:v9+s11+$0x0] =	vst.idx.msk $0xffff, v11  }
0x1d9: {  	[tilespmem:$0x14AD0] =	vst v8  }
0x1da: {  	v7 =	vld [tilespmem:s15+$0x20];
	_ =	sdelay $0x4  }
0x1db: {  	v7 =	vmax.f32 v7, $-5.870558590e+04  }
0x1dc: {  	v7 =	vmin.f32 v7, $5.870558590e+04  }
0x1dd: {  	v8 =	vand.u32 $0x7FFFFFFF, v7  }
0x1de: {  	v28 =	vadd.f32 $1.000000000e+00, v8;
	_ =	sdelay $0x1  }
0x1df: {  	v29 =	vshra.s32 v28, $0x1  }
0x1e0: {  	v10 =	vadd.s32 $0x1FBD1DF5, v29  }
0x1e1: {  	(erf) = vrcp.f32 v10;
	_ =	sdelay $0x8  }
0x1e2: {  	v30 =	vpop (erf)  }
0x1e3: {  	v11 =	vmul.f32 v30, v28;
	_ =	sdelay $0x1  }
0x1e4: {  	v10 =	vadd.f32 v10, v11;
	_ =	sdelay $0x1  }
0x1e5: {  	v10 =	vmul.f32 $5.000000000e-01, v10;
	_ =	sdelay $0x1  }
0x1e6: {  	(erf) = vrcp.f32 v10;
	_ =	sdelay $0x8  }
0x1e7: {  	v31 =	vpop (erf)  }
0x1e8: {  	v11 =	vmul.f32 v31, v28;
	_ =	sdelay $0x1  }
0x1e9: {  	v10 =	vadd.f32 v11, v10;
	_ =	sdelay $0x1  }
0x1ea: {  	v10 =	vmul.f32 $5.000000000e-01, v10;
	_ =	sdelay $0x1  }
0x1eb: {  	(erf) = vrcp.f32 v10;
	_ =	sdelay $0x8  }
0x1ec: {  	v32 =	vpop (erf)  }
0x1ed: {  	v9 =	vmul.f32 v32, v28;
	_ =	sdelay $0x1  }
0x1ee: {  	v9 =	vadd.f32 v9, v10;
	_ =	sdelay $0x1  }
0x1ef: {  	v9 =	vmul.f32 $5.000000000e-01, v9;
	_ =	sdelay $0x1  }
0x1f0: {  	v8 =	vmul.f32 $1.000000050e-03, v8;
	v9 =	vadd.f32 $-1.000000000e+00, v9  }
0x1f1: {  	v33 =	vand.u32 $0x80000000, v7;
	vm4 =	vlt.f32 v7, $0.0e+00;
	vm5 =	vgt.f32 v7, $0.0e+00  }
0x1f2: {  	vm0 =	vmor vm5, vm4;
	v10 =	vor.u32 v33, v6;
	v8 =	vadd.f32 v9, v8  }
0x1f3: {  	v34 =	vsel vm0, v10, v7  }
0x1f4: {  	v8 =	vmul.f32 v8, v34;
	_ =	sdelay $0x1  }
0x1f5: {  	v8 =	vadd.f32 $3.000000000e+02, v8;
	_ =	sdelay $0x1  }
0x1f6: {  	v8 =	vtrunc.f32 v8  }
0x1f7: {  	v8 =	vcvt.f32.s32 v8;
	_ =	sdelay $0x1  }
0x1f8: {  	vm6 =	vgt.s32 v8, $0x0  }
0x1f9: {  	v8 =	vnsel vm6, $0x0, v8  }
0x1fa: {  	v8 =	vmin.u32 v8, $0x257;
	_ =	sdelay $0x3  }
0x1fb: {  	v35 =	vadd.s32 $0x1, v8  }
0x1fc: {  	v36 =	vld.idx.msk [tilespmem:v8+s9+$0x0], $0xffff;
	_ =	sdelay $0x3  }
0x1fd: {  	v37 =	vld.idx.msk [tilespmem:v35+s9+$0x0], $0xffff  }
0x1fe: {  	vm7 =	vle.f32 v7, v36  }
0x1ff: {  	v10 =	vsel vm7, $0xFFFFFFFF, v0  }
0x200: {  	v8 =	vadd.s32 v10, v8  }
0x201: {  	vm8 =	vgt.s32 v8, $0x0  }
0x202: {  	vm9 =	vlt.f32 v37, v7;
	v8 =	vnsel vm8, $0x0, v8  }
0x203: {  	v8 =	vsel vm9, v35, v8  }
0x204: {  	v8 =	vmin.u32 v8, $0x257  }
0x205: {  	v38 =	vadd.s32 $0x1, v8;
	_ =	sdelay $0x3  }
0x206: {  	v39 =	vld.idx.msk [tilespmem:v8+s9+$0x0], $0xffff  }
0x207: {  	v40 =	vld.idx.msk [tilespmem:v38+s9+$0x0], $0xffff;
	_ =	sdelay $0x4  }
0x208: {  	v10 =	vsub.f32 v40, v39;
	_ =	sdelay $0x1  }
0x209: {  	(erf) = vrcp.f32 v10;
	_ =	sdelay $0x4  }
0x20a: {  	v41 =	vshll.u32 v8, $0x3  }
0x20b: {  	v42 =	vand.u32 $0x7F, v8;
	v43 =	vshll.u32 v38, $0x3;
	v10 =	vand.u32 $0x1C00, v41  }
0x20c: {  	v9 =	vand.u32 $0x7F, v38;
	v44 =	vand.u32 $0x3C00, v43;
	v10 =	vor.u32 v42, v10  }
0x20d: {  	v9 =	vor.u32 v9, v44;
	v7 =	vsub.f32 v40, v7;
	v10 =	vadd.s32 v4, v10  }
0x20e: {  	v9 =	vadd.s32 v4, v9;
	v45 =	vpop (erf)  }
0x20f: {  	v7 =	vmul.f32 v45, v7;
	_ =	sdelay $0x1  }
0x210: {  	v11 =	vsub.f32 $1.000000000e+00, v7  }
0x211: {  	[tilespmem:v10+s11+$0x0] =	vst.idx.msk $0xffff, v7  }
0x212: {  	[tilespmem:v9+s11+$0x0] =	vst.idx.msk $0xffff, v11  }
0x213: {  	[tilespmem:$0x14AE0] =	vst v8  }
0x214: {  	v7 =	vld [tilespmem:s15+$0x30];
	_ =	sdelay $0x4  }
0x215: {  	v7 =	vmax.f32 v7, $-5.870558590e+04  }
0x216: {  	v7 =	vmin.f32 v7, $5.870558590e+04  }
0x217: {  	v8 =	vand.u32 $0x7FFFFFFF, v7  }
0x218: {  	v46 =	vadd.f32 $1.000000000e+00, v8;
	_ =	sdelay $0x1  }
0x219: {  	v47 =	vshra.s32 v46, $0x1  }
0x21a: {  	v10 =	vadd.s32 $0x1FBD1DF5, v47  }
0x21b: {  	(erf) = vrcp.f32 v10;
	_ =	sdelay $0x8  }
0x21c: {  	v48 =	vpop (erf)  }
0x21d: {  	v11 =	vmul.f32 v48, v46;
	_ =	sdelay $0x1  }
0x21e: {  	v10 =	vadd.f32 v10, v11;
	_ =	sdelay $0x1  }
0x21f: {  	v10 =	vmul.f32 $5.000000000e-01, v10;
	_ =	sdelay $0x1  }
0x220: {  	(erf) = vrcp.f32 v10;
	_ =	sdelay $0x8  }
0x221: {  	v49 =	vpop (erf)  }
0x222: {  	v11 =	vmul.f32 v49, v46;
	_ =	sdelay $0x1  }
0x223: {  	v10 =	vadd.f32 v11, v10;
	_ =	sdelay $0x1  }
0x224: {  	v10 =	vmul.f32 $5.000000000e-01, v10;
	_ =	sdelay $0x1  }
0x225: {  	(erf) = vrcp.f32 v10;
	_ =	sdelay $0x8  }
0x226: {  	v50 =	vpop (erf)  }
0x227: {  	v9 =	vmul.f32 v50, v46;
	_ =	sdelay $0x1  }
0x228: {  	v9 =	vadd.f32 v9, v10;
	_ =	sdelay $0x1  }
0x229: {  	v9 =	vmul.f32 $5.000000000e-01, v9;
	_ =	sdelay $0x1  }
0x22a: {  	v8 =	vmul.f32 $1.000000050e-03, v8;
	v9 =	vadd.f32 $-1.000000000e+00, v9  }
0x22b: {  	v51 =	vand.u32 $0x80000000, v7;
	vm10 =	vlt.f32 v7, $0.0e+00;
	vm11 =	vgt.f32 v7, $0.0e+00  }
0x22c: {  	vm0 =	vmor vm11, vm10;
	v10 =	vor.u32 v51, v6;
	v8 =	vadd.f32 v9, v8  }
0x22d: {  	v52 =	vsel vm0, v10, v7  }
0x22e: {  	v8 =	vmul.f32 v8, v52;
	_ =	sdelay $0x1  }
0x22f: {  	v8 =	vadd.f32 $3.000000000e+02, v8;
	_ =	sdelay $0x1  }
0x230: {  	v8 =	vtrunc.f32 v8  }
0x231: {  	v8 =	vcvt.f32.s32 v8;
	_ =	sdelay $0x1  }
0x232: {  	vm12 =	vgt.s32 v8, $0x0  }
0x233: {  	v8 =	vnsel vm12, $0x0, v8  }
0x234: {  	v8 =	vmin.u32 v8, $0x257;
	_ =	sdelay $0x3  }
0x235: {  	v53 =	vadd.s32 $0x1, v8  }
0x236: {  	v54 =	vld.idx.msk [tilespmem:v8+s9+$0x0], $0xffff;
	_ =	sdelay $0x3  }
0x237: {  	v55 =	vld.idx.msk [tilespmem:v53+s9+$0x0], $0xffff  }
0x238: {  	vm13 =	vle.f32 v7, v54  }
0x239: {  	v10 =	vsel vm13, $0xFFFFFFFF, v0  }
0x23a: {  	v8 =	vadd.s32 v10, v8  }
0x23b: {  	vm14 =	vgt.s32 v8, $0x0  }
0x23c: {  	vm15 =	vlt.f32 v55, v7;
	v8 =	vnsel vm14, $0x0, v8  }
0x23d: {  	v8 =	vsel vm15, v53, v8  }
0x23e: {  	v8 =	vmin.u32 v8, $0x257  }
0x23f: {  	v56 =	vadd.s32 $0x1, v8;
	_ =	sdelay $0x3  }
0x240: {  	v57 =	vld.idx.msk [tilespmem:v8+s9+$0x0], $0xffff  }
0x241: {  	v58 =	vld.idx.msk [tilespmem:v56+s9+$0x0], $0xffff;
	_ =	sdelay $0x4  }
0x242: {  	v10 =	vsub.f32 v58, v57;
	_ =	sdelay $0x1  }
0x243: {  	(erf) = vrcp.f32 v10;
	_ =	sdelay $0x4  }
0x244: {  	v59 =	vshll.u32 v8, $0x3  }
0x245: {  	v60 =	vand.u32 $0x7F, v8;
	v61 =	vshll.u32 v56, $0x3;
	v10 =	vand.u32 $0x1C00, v59  }
0x246: {  	v9 =	vand.u32 $0x7F, v56;
	v62 =	vand.u32 $0x3C00, v61;
	v10 =	vor.u32 v60, v10  }
0x247: {  	v9 =	vor.u32 v9, v62;
	v7 =	vsub.f32 v58, v7;
	v10 =	vadd.s32 v5, v10  }
0x248: {  	v9 =	vadd.s32 v5, v9;
	v63 =	vpop (erf)  }
0x249: {  	s16 =	sadd.s32 $0x2800, s16;
	v7 =	vmul.f32 v63, v7  }
0x24a: {  	p0 =	sne.s32 s16, $0x28000  }
.Ltmp0:
0x24b: {  	v11 =	vsub.f32 $1.000000000e+00, v7;
	(pc) =	sbr.rel @p0 .LBB2_2-.Ltmp0, $4  }
0x24c: {  	[tilespmem:v10+s11+$0x0] =	vst.idx.msk $0xffff, v7  }
0x24d: {  	[tilespmem:v9+s11+$0x0] =	vst.idx.msk $0xffff, v11  }
0x24e: {  	s17 =	sadd.s32 $0x1400, s31;
	s15 =	sadd.s32 $0x80, s15;
	[tilespmem:$0x14AF0] =	vst v8  }
0x24f: {  	[hbm4b:s17+s4] =	stream.linear.scatter [tilespmem:s11], [sflag:$0x2], $0xA000, $0x38;
	[tilespmem:$0x14B00] =	vst v63  }
0x250: {  	s14 =	sadd.s32 $0x1, s14  }
0x251: {  	_ =	swait.ge [sflag:s12], $0xA000;
	p0 =	sne.s32 s14, s6  }
.Ltmp1:
0x252: {  	[sflag:s12] =	ssyncset.done $0x0;
	(pc) =	sbr.rel @p0 .LBB2_1-.Ltmp1, $4  }
0x253: {  	[sflag:s12] =	ssyncadd.s32 $0xFFFF6000  }
0x254: {  	_ =	swait.ge [sflag:s13], $0xA000  }
0x255: {  	[sflag:s13] =	ssyncset.done $0x0  }
0x256: {  	[sflag:s13] =	ssyncadd.s32 $0xFFFF6000  }
0x257: {  	_ =	sfence.sel $0x180000  }
0x258: {  	[bflag:$0x0] =	sbarrier.arrive $0xFFFF  }
0x259: {  	p0 =	sne.s32 s0, $0x0;
	_ =	strace $0x90000047  }
0x25a: {  	s0 =	sadd.s32 @!p0 $0x100000, s3;
	[bflag:$0x2] =	sbarrier.arrive $0xFFFF  }
0x25b: {  	[sflag:s0] =	ssyncadd.tile.s32 @!p0 $0x1;
	_ =	shalt  }
.Lfunc_end2:
_tile_overlayer_lowered:
.L_overlay_start_2:
0x25c: {  	(tag) =	ssettag $0x2  }
0x25d: {  	s0 =	rddreg [dreg:$0x0];
	s2 =	stileid.u32  }
0x25e: {  	s1 =	rddreg [dreg:$0x1];
	p0 =	sne.s32 s2, $0x0  }
0x25f: {  	s3 =	rddreg [dreg:$0x2];
	[bflag:$0x3] =	sbarrier.arrive $0xFFFF;
	s2 =	simm.s32 @!p0 $0x1C03  }
0x260: {  	[timem:s3], [sflag:s2] =	dma.local @!p0 [hbm:s0], s1  }
0x261: {  	s0 =	simm.s32 @!p0 $0x3  }
0x262: {  	_ =	swait.ge @!p0 [sflag:s0], s1  }
0x263: {  	s1 =	ssub.s32 @!p0 $0x0, s1;
	[sflag:s0] =	ssyncset.done @!p0 $0x0  }
0x264: {  	[sflag:s0] =	ssyncadd.s32 @!p0 s1  }
0x265: {  	[bflag:$0x3] =	sbarrier.arrive $0xFFFF  }
0x266: {  	_ =	shalt  }

</sc_bundles>
